<compile_context>
chip_gen: v7x
topology: tpu7x:2x2x1
jax: 0.10.2.dev20260603
libtpu: 0.0.44.dev20260713+nightly
codegen_flags: <defaults>
</compile_context>

<pallas_src>
import functools

import jax
import jax.numpy as jnp
from jax import lax
from jax.experimental import pallas as pl
from jax.experimental.pallas import tpu as pltpu
from jax.experimental.pallas import tpu_sc as plsc

_IGNORE = 255
_N, _C = 65536, 512
_L = 16
_NC, _NS = 2, 16
_NW = _NC * _NS
_BPW = _N // _NW
_NCHUNK = 4
_CH = _BPW // _NCHUNK
_CHG = _CH // _L

_mesh = plsc.VectorSubcoreMesh(
    core_axis_name="c", subcore_axis_name="s", num_cores=_NC, num_subcores=_NS
)


@functools.partial(
    pl.kernel,
    out_type=jax.ShapeDtypeStruct((_NW, 2 * _L), jnp.float32),
    mesh=_mesh,
    scratch_types=[
        pltpu.VMEM((_BPW,), jnp.int32),
        pltpu.VMEM((_BPW,), jnp.float32),
        pltpu.VMEM((2 * _L,), jnp.float32),
        [pltpu.SemaphoreType.DMA] * _NCHUNK,
        [pltpu.SemaphoreType.DMA] * _NCHUNK,
    ],
)
def _sc_partials(logits_hbm, tgt_hbm, part_hbm,
                 tgt_v, val_v, acc_v, sems, tsems):
    wid = lax.axis_index("s") * _NC + lax.axis_index("c")
    base = wid * _BPW
    tgt_copies = [
        pltpu.async_copy(
            tgt_hbm.at[pl.ds(base + k * _CH, _CH)],
            tgt_v.at[pl.ds(k * _CH, _CH)],
            tsems[k],
        )
        for k in range(_NCHUNK)
    ]

    lane = lax.iota(jnp.int32, 16)
    lane_off = ((lane >> 3) << 12) + ((lane & 7) << 7)

    def gather_body(k, j, _):
        jj = j * _L
        t = tgt_v[pl.ds(jj, _L)]
        phys = ((base + jj) << 9) + (lane_off + (((t >> 7) << 10) + (t & 127)))
        pltpu.async_copy(logits_hbm.at[phys], val_v.at[pl.ds(jj, _L)], sems[k])
        return 0

    for k in range(_NCHUNK):
        tgt_copies[k].wait()
        lax.fori_loop(k * _CHG, (k + 1) * _CHG,
                      functools.partial(gather_body, k), 0, unroll=2)

    copies = [
        pltpu.make_async_copy(
            logits_hbm.at[pl.ds(0, _CH)],
            val_v.at[pl.ds(k * _CH, _CH)],
            sems[k],
        )
        for k in range(_NCHUNK)
    ]

    one = jnp.ones((_L,), jnp.float32)
    zero = jnp.zeros((_L,), jnp.float32)

    def acc_body(j, carry):
        s, c = carry
        jj = j * _L
        t = tgt_v[pl.ds(jj, _L)]
        g = val_v[pl.ds(jj, _L)]
        m = t != _IGNORE
        d = jnp.where(m, 1.0 - g, 0.0)
        return s + d * d, c + jnp.where(m, one, zero)

    s = zero
    c = zero
    for k in range(_NCHUNK):
        copies[k].wait()
        s, c = lax.fori_loop(k * _CHG, (k + 1) * _CHG, acc_body, (s, c),
                             unroll=2)

    acc_v[pl.ds(0, _L)] = s
    acc_v[pl.ds(_L, _L)] = c
    pltpu.sync_copy(acc_v, part_hbm.at[wid])


def _finalize_body(part_ref, out_ref):
    p = part_ref[...]
    s = jnp.sum(p[:, :_L])
    c = jnp.sum(p[:, _L:])
    out_ref[...] = (s / jnp.maximum(c, 1.0)).reshape(1, 1)


def kernel(contrast_logits, contrast_target):
    logits_flat = (
        contrast_logits.reshape(_N // 8, 8, _C // 128, 128)
        .transpose(0, 2, 1, 3)
        .reshape(-1)
    )
    parts = _sc_partials(logits_flat, contrast_target)
    out = pl.pallas_call(
        _finalize_body,
        out_shape=jax.ShapeDtypeStruct((1, 1), jnp.float32),
    )(parts)
    return out[0, 0]

# --- scband reference (transcript-rebuilt; emitter-appended) ---
"""Pipeline reference for scband-adlcom-loss-25005299598025 (READ-ONLY COPY).

The authoritative reference and input builder live on the scoring server;
editing this copy changes nothing except your own understanding.
"""

import jax, jax.numpy as jnp
import numpy as np

IGNORE_LABEL = 255
N, C = 65536, 512

def setup_inputs(seed: int = 0) -> dict:
    key = jax.random.key(seed)
    k1, k2 = jax.random.split(key)
    contrast_logits = jax.random.normal(k1, (N, C), dtype=jnp.float32)
    contrast_target = jax.random.randint(k2, (N,), 0, C, dtype=jnp.int32)
    return {"contrast_logits": contrast_logits, "contrast_target": contrast_target}

def reference(contrast_logits, contrast_target):
    # torch: logits = contrast_logits[mask]; target = contrast_target[mask];
    #        gathered = gather(logits, 1, target[:,None]); loss = (1-gathered)^2 .mean()
    # Equivalent masked-mean formulation (avoids dynamic shapes):
    mask = (contrast_target != IGNORE_LABEL)
    maskf = mask.astype(jnp.float32)
    safe_tgt = jnp.where(mask, contrast_target, 0)
    gathered = jnp.take_along_axis(contrast_logits, safe_tgt[:, None], axis=1)[:, 0]
    sq = (1.0 - gathered) ** 2
    denom = jnp.maximum(jnp.sum(maskf), 1.0)
    adl_com_loss = jnp.sum(sq * maskf) / denom
    return adl_com_loss

if __name__ == "__main__":
    import jax
    _d = setup_inputs()
    print(jax.jit(kernel)(*tuple(_d.values())))

</pallas_src>

<mosaic_0001>
#map = affine_map<(d0, d1) -> (0)>
#map1 = affine_map<(d0, d1) -> (0, 0)>
module attributes {stable_mosaic.version = 14 : i64} {
  func.func @_sc_partials(%arg0: i32, %arg1: i32, %arg2: memref<33554432xf32, #tpu.memory_space<hbm>>, %arg3: memref<65536xi32, #tpu.memory_space<hbm>>, %arg4: memref<32x32xf32, #tpu.memory_space<hbm>>, %arg5: memref<2048xi32, #tpu.memory_space<vmem>>, %arg6: memref<2048xf32, #tpu.memory_space<vmem>>, %arg7: memref<32xf32, #tpu.memory_space<vmem>>, %arg8: memref<!tpu.dma_semaphore, #tpu.memory_space<semaphore_mem>>, %arg9: memref<!tpu.dma_semaphore, #tpu.memory_space<semaphore_mem>>, %arg10: memref<!tpu.dma_semaphore, #tpu.memory_space<semaphore_mem>>, %arg11: memref<!tpu.dma_semaphore, #tpu.memory_space<semaphore_mem>>, %arg12: memref<!tpu.dma_semaphore, #tpu.memory_space<semaphore_mem>>, %arg13: memref<!tpu.dma_semaphore, #tpu.memory_space<semaphore_mem>>, %arg14: memref<!tpu.dma_semaphore, #tpu.memory_space<semaphore_mem>>, %arg15: memref<!tpu.dma_semaphore, #tpu.memory_space<semaphore_mem>>) attributes {dimension_semantics = [#tpu.dimension_semantics<core_parallel>, #tpu.dimension_semantics<subcore_parallel>], iteration_bounds = array<i64: 2, 16>, scalar_prefetch = 0 : i64, scratch_operands = 11 : i64, tpu.core_type = #tpu.core_type<sc_vector_subcore>, window_params = [{transform_indices = #map}, {transform_indices = #map}, {transform_indices = #map1}]} {
    %mul3A = arith.constant 2 : i32
    %mul3A_0 = arith.muli %arg1, %mul3A : i32
    %add3A = arith.addi %mul3A_0, %arg0 : i32
    %mul3A_1 = arith.constant 2048 : i32
    %mul3A_2 = arith.muli %add3A, %mul3A_1 : i32
    %add3A_3 = arith.constant 0 : i32
    %add3A_4 = arith.addi %mul3A_2, %add3A_3 : i32
    %dma_start3A = arith.constant 0 : i32
    %dma_start3A_5 = tpu.memref_slice %arg5[%dma_start3A] : memref<2048xi32, #tpu.memory_space<vmem>> -> memref<512xi32, #tpu.memory_space<vmem>>
    %dma_start3A_6 = tpu.memref_slice %arg3[%add3A_4] : memref<65536xi32, #tpu.memory_space<hbm>> -> memref<512xi32, #tpu.memory_space<hbm>>
    %dma_start3A_7 = arith.constant 0 : i32
    %dma_start3A_8 = tpu.memref_slice %arg5[%dma_start3A_7] : memref<2048xi32, #tpu.memory_space<vmem>> -> memref<512xi32, #tpu.memory_space<vmem>>
    %dma_start3A_9 = tpu.memref_slice %arg3[%add3A_4] : memref<65536xi32, #tpu.memory_space<hbm>> -> memref<512xi32, #tpu.memory_space<hbm>>
    tpu.enqueue_dma source(%dma_start3A_9 : memref<512xi32, #tpu.memory_space<hbm>>) target(%dma_start3A_8 : memref<512xi32, #tpu.memory_space<vmem>>) target_semaphore(%arg12 : memref<!tpu.dma_semaphore, #tpu.memory_space<semaphore_mem>>)
    %add3A_10 = arith.constant 512 : i32
    %add3A_11 = arith.addi %mul3A_2, %add3A_10 : i32
    %dma_start3A_12 = arith.constant 512 : i32
    %dma_start3A_13 = tpu.memref_slice %arg5[%dma_start3A_12] : memref<2048xi32, #tpu.memory_space<vmem>> -> memref<512xi32, #tpu.memory_space<vmem>>
    %dma_start3A_14 = tpu.memref_slice %arg3[%add3A_11] : memref<65536xi32, #tpu.memory_space<hbm>> -> memref<512xi32, #tpu.memory_space<hbm>>
    %dma_start3A_15 = arith.constant 512 : i32
    %dma_start3A_16 = tpu.memref_slice %arg5[%dma_start3A_15] : memref<2048xi32, #tpu.memory_space<vmem>> -> memref<512xi32, #tpu.memory_space<vmem>>
    %dma_start3A_17 = tpu.memref_slice %arg3[%add3A_11] : memref<65536xi32, #tpu.memory_space<hbm>> -> memref<512xi32, #tpu.memory_space<hbm>>
    tpu.enqueue_dma source(%dma_start3A_17 : memref<512xi32, #tpu.memory_space<hbm>>) target(%dma_start3A_16 : memref<512xi32, #tpu.memory_space<vmem>>) target_semaphore(%arg13 : memref<!tpu.dma_semaphore, #tpu.memory_space<semaphore_mem>>)
    %add3A_18 = arith.constant 1024 : i32
    %add3A_19 = arith.addi %mul3A_2, %add3A_18 : i32
    %dma_start3A_20 = arith.constant 1024 : i32
    %dma_start3A_21 = tpu.memref_slice %arg5[%dma_start3A_20] : memref<2048xi32, #tpu.memory_space<vmem>> -> memref<512xi32, #tpu.memory_space<vmem>>
    %dma_start3A_22 = tpu.memref_slice %arg3[%add3A_19] : memref<65536xi32, #tpu.memory_space<hbm>> -> memref<512xi32, #tpu.memory_space<hbm>>
    %dma_start3A_23 = arith.constant 1024 : i32
    %dma_start3A_24 = tpu.memref_slice %arg5[%dma_start3A_23] : memref<2048xi32, #tpu.memory_space<vmem>> -> memref<512xi32, #tpu.memory_space<vmem>>
    %dma_start3A_25 = tpu.memref_slice %arg3[%add3A_19] : memref<65536xi32, #tpu.memory_space<hbm>> -> memref<512xi32, #tpu.memory_space<hbm>>
    tpu.enqueue_dma source(%dma_start3A_25 : memref<512xi32, #tpu.memory_space<hbm>>) target(%dma_start3A_24 : memref<512xi32, #tpu.memory_space<vmem>>) target_semaphore(%arg14 : memref<!tpu.dma_semaphore, #tpu.memory_space<semaphore_mem>>)
    %add3A_26 = arith.constant 1536 : i32
    %add3A_27 = arith.addi %mul3A_2, %add3A_26 : i32
    %dma_start3A_28 = arith.constant 1536 : i32
    %dma_start3A_29 = tpu.memref_slice %arg5[%dma_start3A_28] : memref<2048xi32, #tpu.memory_space<vmem>> -> memref<512xi32, #tpu.memory_space<vmem>>
    %dma_start3A_30 = tpu.memref_slice %arg3[%add3A_27] : memref<65536xi32, #tpu.memory_space<hbm>> -> memref<512xi32, #tpu.memory_space<hbm>>
    %dma_start3A_31 = arith.constant 1536 : i32
    %dma_start3A_32 = tpu.memref_slice %arg5[%dma_start3A_31] : memref<2048xi32, #tpu.memory_space<vmem>> -> memref<512xi32, #tpu.memory_space<vmem>>
    %dma_start3A_33 = tpu.memref_slice %arg3[%add3A_27] : memref<65536xi32, #tpu.memory_space<hbm>> -> memref<512xi32, #tpu.memory_space<hbm>>
    tpu.enqueue_dma source(%dma_start3A_33 : memref<512xi32, #tpu.memory_space<hbm>>) target(%dma_start3A_32 : memref<512xi32, #tpu.memory_space<vmem>>) target_semaphore(%arg15 : memref<!tpu.dma_semaphore, #tpu.memory_space<semaphore_mem>>)
    %iota3A = tpu.iota {dimensions = array<i32: 0>} : vector<16xi32>
    %shift_right_arithmetic3A = arith.constant 3 : i32
    %shift_right_arithmetic3A_34 = vector.broadcast %shift_right_arithmetic3A : i32 to vector<16xi32>
    %shift_right_arithmetic3A_35 = arith.shrsi %iota3A, %shift_right_arithmetic3A_34 : vector<16xi32>
    %shift_left3A = arith.constant 12 : i32
    %shift_left3A_36 = vector.broadcast %shift_left3A : i32 to vector<16xi32>
    %shift_left3A_37 = arith.shli %shift_right_arithmetic3A_35, %shift_left3A_36 : vector<16xi32>
    %and3A = arith.constant 7 : i32
    %and3A_38 = vector.broadcast %and3A : i32 to vector<16xi32>
    %and3A_39 = arith.andi %iota3A, %and3A_38 : vector<16xi32>
    %shift_left3A_40 = arith.constant 7 : i32
    %shift_left3A_41 = vector.broadcast %shift_left3A_40 : i32 to vector<16xi32>
    %shift_left3A_42 = arith.shli %and3A_39, %shift_left3A_41 : vector<16xi32>
    %add3A_43 = arith.addi %shift_left3A_37, %shift_left3A_42 : vector<16xi32>
    %dma_wait3A = arith.constant 0 : i32
    %dma_wait3A_44 = tpu.memref_slice %arg5[%dma_wait3A] : memref<2048xi32, #tpu.memory_space<vmem>> -> memref<512xi32, #tpu.memory_space<vmem>>
    %dma_wait3A_45 = tpu.memref_slice %arg3[%add3A_4] : memref<65536xi32, #tpu.memory_space<hbm>> -> memref<512xi32, #tpu.memory_space<hbm>>
    %dma_wait3A_46 = arith.constant 0 : i32
    %dma_wait3A_47 = tpu.memref_slice %arg5[%dma_wait3A_46] : memref<2048xi32, #tpu.memory_space<vmem>> -> memref<512xi32, #tpu.memory_space<vmem>>
    %dma_wait3A_48 = tpu.memref_slice %arg3[%add3A_4] : memref<65536xi32, #tpu.memory_space<hbm>> -> memref<512xi32, #tpu.memory_space<hbm>>
    tpu.wait_dma2 semaphore(%arg12 : memref<!tpu.dma_semaphore, #tpu.memory_space<semaphore_mem>>) src(%dma_wait3A_48 : memref<512xi32, #tpu.memory_space<hbm>>) dst(%dma_wait3A_47 : memref<512xi32, #tpu.memory_space<vmem>>)
    %scan3A = arith.constant 0 : i32
    %scan3A_49 = arith.constant 0 : i32
    %scan3A_50 = arith.constant 32 : i32
    %scan3A_51 = arith.addi %scan3A_49, %scan3A_50 : i32
    %scan3A_52 = arith.constant 2 : i32
    %scan3A_53 = scf.for %scan3A_160 = %scan3A_49 to %scan3A_51 step %scan3A_52 iter_args(%scan3A_161 = %scan3A) -> (i32)  : i32 {
      %mul3A_162 = arith.constant 16 : i32
      %mul3A_163 = arith.muli %scan3A_160, %mul3A_162 : i32
      %get3A = arith.index_cast %mul3A_163 : i32 to index
      %get3A_164 = tpu.vector_load %arg5[%get3A] {strides = array<i32>} : memref<2048xi32, #tpu.memory_space<vmem>>, vector<16xi32>,
      %get3A_165 = vector.shape_cast %get3A_164 : vector<16xi32> to vector<16xi32>
      %add3A_166 = arith.addi %mul3A_2, %mul3A_163 : i32
      %shift_left3A_167 = arith.constant 9 : i32
      %shift_left3A_168 = arith.shli %add3A_166, %shift_left3A_167 : i32
      %shift_right_arithmetic3A_169 = arith.constant 7 : i32
      %shift_right_arithmetic3A_170 = vector.broadcast %shift_right_arithmetic3A_169 : i32 to vector<16xi32>
      %shift_right_arithmetic3A_171 = arith.shrsi %get3A_165, %shift_right_arithmetic3A_170 : vector<16xi32>
      %shift_left3A_172 = arith.constant 10 : i32
      %shift_left3A_173 = vector.broadcast %shift_left3A_172 : i32 to vector<16xi32>
      %shift_left3A_174 = arith.shli %shift_right_arithmetic3A_171, %shift_left3A_173 : vector<16xi32>
      %and3A_175 = arith.constant 127 : i32
      %and3A_176 = vector.broadcast %and3A_175 : i32 to vector<16xi32>
      %and3A_177 = arith.andi %get3A_165, %and3A_176 : vector<16xi32>
      %add3A_178 = arith.addi %shift_left3A_174, %and3A_177 : vector<16xi32>
      %add3A_179 = arith.addi %add3A_43, %add3A_178 : vector<16xi32>
      %add3A_180 = vector.broadcast %shift_left3A_168 : i32 to vector<16xi32>
      %add3A_181 = arith.addi %add3A_180, %add3A_179 : vector<16xi32>
      %dma_start3A_182 = tpu.memref_slice %arg6[%mul3A_163] : memref<2048xf32, #tpu.memory_space<vmem>> -> memref<16xf32, #tpu.memory_space<vmem>>
      %dma_start3A_183 = arith.constant 0 : i32
      %dma_start3A_184 = tpu.memref_slice %arg2[%dma_start3A_183] : memref<33554432xf32, #tpu.memory_space<hbm>> -> memref<33554432xf32, #tpu.memory_space<hbm>>
      tpu.enqueue_indirect_dma source(%dma_start3A_184 : memref<33554432xf32, #tpu.memory_space<hbm>>) target(%dma_start3A_182 : memref<16xf32, #tpu.memory_space<vmem>>) offsets(%add3A_181 : vector<16xi32>) semaphore(%arg8 : memref<!tpu.dma_semaphore, #tpu.memory_space<semaphore_mem>>)
      %scan3A_185 = arith.constant 0 : i32
      %scan3A_186 = arith.constant 1 : i32
      %scan3A_187 = arith.addi %scan3A_160, %scan3A_186 : i32
      %mul3A_188 = arith.constant 16 : i32
      %mul3A_189 = arith.muli %scan3A_187, %mul3A_188 : i32
      %get3A_190 = arith.index_cast %mul3A_189 : i32 to index
      %get3A_191 = tpu.vector_load %arg5[%get3A_190] {strides = array<i32>} : memref<2048xi32, #tpu.memory_space<vmem>>, vector<16xi32>,
      %get3A_192 = vector.shape_cast %get3A_191 : vector<16xi32> to vector<16xi32>
      %add3A_193 = arith.addi %mul3A_2, %mul3A_189 : i32
      %shift_left3A_194 = arith.constant 9 : i32
      %shift_left3A_195 = arith.shli %add3A_193, %shift_left3A_194 : i32
      %shift_right_arithmetic3A_196 = arith.constant 7 : i32
      %shift_right_arithmetic3A_197 = vector.broadcast %shift_right_arithmetic3A_196 : i32 to vector<16xi32>
      %shift_right_arithmetic3A_198 = arith.shrsi %get3A_192, %shift_right_arithmetic3A_197 : vector<16xi32>
      %shift_left3A_199 = arith.constant 10 : i32
      %shift_left3A_200 = vector.broadcast %shift_left3A_199 : i32 to vector<16xi32>
      %shift_left3A_201 = arith.shli %shift_right_arithmetic3A_198, %shift_left3A_200 : vector<16xi32>
      %and3A_202 = arith.constant 127 : i32
      %and3A_203 = vector.broadcast %and3A_202 : i32 to vector<16xi32>
      %and3A_204 = arith.andi %get3A_192, %and3A_203 : vector<16xi32>
      %add3A_205 = arith.addi %shift_left3A_201, %and3A_204 : vector<16xi32>
      %add3A_206 = arith.addi %add3A_43, %add3A_205 : vector<16xi32>
      %add3A_207 = vector.broadcast %shift_left3A_195 : i32 to vector<16xi32>
      %add3A_208 = arith.addi %add3A_207, %add3A_206 : vector<16xi32>
      %dma_start3A_209 = tpu.memref_slice %arg6[%mul3A_189] : memref<2048xf32, #tpu.memory_space<vmem>> -> memref<16xf32, #tpu.memory_space<vmem>>
      %dma_start3A_210 = arith.constant 0 : i32
      %dma_start3A_211 = tpu.memref_slice %arg2[%dma_start3A_210] : memref<33554432xf32, #tpu.memory_space<hbm>> -> memref<33554432xf32, #tpu.memory_space<hbm>>
      tpu.enqueue_indirect_dma source(%dma_start3A_211 : memref<33554432xf32, #tpu.memory_space<hbm>>) target(%dma_start3A_209 : memref<16xf32, #tpu.memory_space<vmem>>) offsets(%add3A_208 : vector<16xi32>) semaphore(%arg8 : memref<!tpu.dma_semaphore, #tpu.memory_space<semaphore_mem>>)
      %scan3A_212 = arith.constant 0 : i32
      scf.yield %scan3A_212 : i32
    }
    %scan3A_54 = arith.constant 32 : i32
    %dma_wait3A_55 = arith.constant 512 : i32
    %dma_wait3A_56 = tpu.memref_slice %arg5[%dma_wait3A_55] : memref<2048xi32, #tpu.memory_space<vmem>> -> memref<512xi32, #tpu.memory_space<vmem>>
    %dma_wait3A_57 = tpu.memref_slice %arg3[%add3A_11] : memref<65536xi32, #tpu.memory_space<hbm>> -> memref<512xi32, #tpu.memory_space<hbm>>
    %dma_wait3A_58 = arith.constant 512 : i32
    %dma_wait3A_59 = tpu.memref_slice %arg5[%dma_wait3A_58] : memref<2048xi32, #tpu.memory_space<vmem>> -> memref<512xi32, #tpu.memory_space<vmem>>
    %dma_wait3A_60 = tpu.memref_slice %arg3[%add3A_11] : memref<65536xi32, #tpu.memory_space<hbm>> -> memref<512xi32, #tpu.memory_space<hbm>>
    tpu.wait_dma2 semaphore(%arg13 : memref<!tpu.dma_semaphore, #tpu.memory_space<semaphore_mem>>) src(%dma_wait3A_60 : memref<512xi32, #tpu.memory_space<hbm>>) dst(%dma_wait3A_59 : memref<512xi32, #tpu.memory_space<vmem>>)
    %scan3A_61 = arith.constant 0 : i32
    %scan3A_62 = arith.constant 32 : i32
    %scan3A_63 = arith.constant 32 : i32
    %scan3A_64 = arith.addi %scan3A_62, %scan3A_63 : i32
    %scan3A_65 = arith.constant 2 : i32
    %scan3A_66 = scf.for %scan3A_160 = %scan3A_62 to %scan3A_64 step %scan3A_65 iter_args(%scan3A_161 = %scan3A_61) -> (i32)  : i32 {
      %mul3A_162 = arith.constant 16 : i32
      %mul3A_163 = arith.muli %scan3A_160, %mul3A_162 : i32
      %get3A = arith.index_cast %mul3A_163 : i32 to index
      %get3A_164 = tpu.vector_load %arg5[%get3A] {strides = array<i32>} : memref<2048xi32, #tpu.memory_space<vmem>>, vector<16xi32>,
      %get3A_165 = vector.shape_cast %get3A_164 : vector<16xi32> to vector<16xi32>
      %add3A_166 = arith.addi %mul3A_2, %mul3A_163 : i32
      %shift_left3A_167 = arith.constant 9 : i32
      %shift_left3A_168 = arith.shli %add3A_166, %shift_left3A_167 : i32
      %shift_right_arithmetic3A_169 = arith.constant 7 : i32
      %shift_right_arithmetic3A_170 = vector.broadcast %shift_right_arithmetic3A_169 : i32 to vector<16xi32>
      %shift_right_arithmetic3A_171 = arith.shrsi %get3A_165, %shift_right_arithmetic3A_170 : vector<16xi32>
      %shift_left3A_172 = arith.constant 10 : i32
      %shift_left3A_173 = vector.broadcast %shift_left3A_172 : i32 to vector<16xi32>
      %shift_left3A_174 = arith.shli %shift_right_arithmetic3A_171, %shift_left3A_173 : vector<16xi32>
      %and3A_175 = arith.constant 127 : i32
      %and3A_176 = vector.broadcast %and3A_175 : i32 to vector<16xi32>
      %and3A_177 = arith.andi %get3A_165, %and3A_176 : vector<16xi32>
      %add3A_178 = arith.addi %shift_left3A_174, %and3A_177 : vector<16xi32>
      %add3A_179 = arith.addi %add3A_43, %add3A_178 : vector<16xi32>
      %add3A_180 = vector.broadcast %shift_left3A_168 : i32 to vector<16xi32>
      %add3A_181 = arith.addi %add3A_180, %add3A_179 : vector<16xi32>
      %dma_start3A_182 = tpu.memref_slice %arg6[%mul3A_163] : memref<2048xf32, #tpu.memory_space<vmem>> -> memref<16xf32, #tpu.memory_space<vmem>>
      %dma_start3A_183 = arith.constant 0 : i32
      %dma_start3A_184 = tpu.memref_slice %arg2[%dma_start3A_183] : memref<33554432xf32, #tpu.memory_space<hbm>> -> memref<33554432xf32, #tpu.memory_space<hbm>>
      tpu.enqueue_indirect_dma source(%dma_start3A_184 : memref<33554432xf32, #tpu.memory_space<hbm>>) target(%dma_start3A_182 : memref<16xf32, #tpu.memory_space<vmem>>) offsets(%add3A_181 : vector<16xi32>) semaphore(%arg9 : memref<!tpu.dma_semaphore, #tpu.memory_space<semaphore_mem>>)
      %scan3A_185 = arith.constant 0 : i32
      %scan3A_186 = arith.constant 1 : i32
      %scan3A_187 = arith.addi %scan3A_160, %scan3A_186 : i32
      %mul3A_188 = arith.constant 16 : i32
      %mul3A_189 = arith.muli %scan3A_187, %mul3A_188 : i32
      %get3A_190 = arith.index_cast %mul3A_189 : i32 to index
      %get3A_191 = tpu.vector_load %arg5[%get3A_190] {strides = array<i32>} : memref<2048xi32, #tpu.memory_space<vmem>>, vector<16xi32>,
      %get3A_192 = vector.shape_cast %get3A_191 : vector<16xi32> to vector<16xi32>
      %add3A_193 = arith.addi %mul3A_2, %mul3A_189 : i32
      %shift_left3A_194 = arith.constant 9 : i32
      %shift_left3A_195 = arith.shli %add3A_193, %shift_left3A_194 : i32
      %shift_right_arithmetic3A_196 = arith.constant 7 : i32
      %shift_right_arithmetic3A_197 = vector.broadcast %shift_right_arithmetic3A_196 : i32 to vector<16xi32>
      %shift_right_arithmetic3A_198 = arith.shrsi %get3A_192, %shift_right_arithmetic3A_197 : vector<16xi32>
      %shift_left3A_199 = arith.constant 10 : i32
      %shift_left3A_200 = vector.broadcast %shift_left3A_199 : i32 to vector<16xi32>
      %shift_left3A_201 = arith.shli %shift_right_arithmetic3A_198, %shift_left3A_200 : vector<16xi32>
      %and3A_202 = arith.constant 127 : i32
      %and3A_203 = vector.broadcast %and3A_202 : i32 to vector<16xi32>
      %and3A_204 = arith.andi %get3A_192, %and3A_203 : vector<16xi32>
      %add3A_205 = arith.addi %shift_left3A_201, %and3A_204 : vector<16xi32>
      %add3A_206 = arith.addi %add3A_43, %add3A_205 : vector<16xi32>
      %add3A_207 = vector.broadcast %shift_left3A_195 : i32 to vector<16xi32>
      %add3A_208 = arith.addi %add3A_207, %add3A_206 : vector<16xi32>
      %dma_start3A_209 = tpu.memref_slice %arg6[%mul3A_189] : memref<2048xf32, #tpu.memory_space<vmem>> -> memref<16xf32, #tpu.memory_space<vmem>>
      %dma_start3A_210 = arith.constant 0 : i32
      %dma_start3A_211 = tpu.memref_slice %arg2[%dma_start3A_210] : memref<33554432xf32, #tpu.memory_space<hbm>> -> memref<33554432xf32, #tpu.memory_space<hbm>>
      tpu.enqueue_indirect_dma source(%dma_start3A_211 : memref<33554432xf32, #tpu.memory_space<hbm>>) target(%dma_start3A_209 : memref<16xf32, #tpu.memory_space<vmem>>) offsets(%add3A_208 : vector<16xi32>) semaphore(%arg9 : memref<!tpu.dma_semaphore, #tpu.memory_space<semaphore_mem>>)
      %scan3A_212 = arith.constant 0 : i32
      scf.yield %scan3A_212 : i32
    }
    %scan3A_67 = arith.constant 32 : i32
    %dma_wait3A_68 = arith.constant 1024 : i32
    %dma_wait3A_69 = tpu.memref_slice %arg5[%dma_wait3A_68] : memref<2048xi32, #tpu.memory_space<vmem>> -> memref<512xi32, #tpu.memory_space<vmem>>
    %dma_wait3A_70 = tpu.memref_slice %arg3[%add3A_19] : memref<65536xi32, #tpu.memory_space<hbm>> -> memref<512xi32, #tpu.memory_space<hbm>>
    %dma_wait3A_71 = arith.constant 1024 : i32
    %dma_wait3A_72 = tpu.memref_slice %arg5[%dma_wait3A_71] : memref<2048xi32, #tpu.memory_space<vmem>> -> memref<512xi32, #tpu.memory_space<vmem>>
    %dma_wait3A_73 = tpu.memref_slice %arg3[%add3A_19] : memref<65536xi32, #tpu.memory_space<hbm>> -> memref<512xi32, #tpu.memory_space<hbm>>
    tpu.wait_dma2 semaphore(%arg14 : memref<!tpu.dma_semaphore, #tpu.memory_space<semaphore_mem>>) src(%dma_wait3A_73 : memref<512xi32, #tpu.memory_space<hbm>>) dst(%dma_wait3A_72 : memref<512xi32, #tpu.memory_space<vmem>>)
    %scan3A_74 = arith.constant 0 : i32
    %scan3A_75 = arith.constant 64 : i32
    %scan3A_76 = arith.constant 32 : i32
    %scan3A_77 = arith.addi %scan3A_75, %scan3A_76 : i32
    %scan3A_78 = arith.constant 2 : i32
    %scan3A_79 = scf.for %scan3A_160 = %scan3A_75 to %scan3A_77 step %scan3A_78 iter_args(%scan3A_161 = %scan3A_74) -> (i32)  : i32 {
      %mul3A_162 = arith.constant 16 : i32
      %mul3A_163 = arith.muli %scan3A_160, %mul3A_162 : i32
      %get3A = arith.index_cast %mul3A_163 : i32 to index
      %get3A_164 = tpu.vector_load %arg5[%get3A] {strides = array<i32>} : memref<2048xi32, #tpu.memory_space<vmem>>, vector<16xi32>,
      %get3A_165 = vector.shape_cast %get3A_164 : vector<16xi32> to vector<16xi32>
      %add3A_166 = arith.addi %mul3A_2, %mul3A_163 : i32
      %shift_left3A_167 = arith.constant 9 : i32
      %shift_left3A_168 = arith.shli %add3A_166, %shift_left3A_167 : i32
      %shift_right_arithmetic3A_169 = arith.constant 7 : i32
      %shift_right_arithmetic3A_170 = vector.broadcast %shift_right_arithmetic3A_169 : i32 to vector<16xi32>
      %shift_right_arithmetic3A_171 = arith.shrsi %get3A_165, %shift_right_arithmetic3A_170 : vector<16xi32>
      %shift_left3A_172 = arith.constant 10 : i32
      %shift_left3A_173 = vector.broadcast %shift_left3A_172 : i32 to vector<16xi32>
      %shift_left3A_174 = arith.shli %shift_right_arithmetic3A_171, %shift_left3A_173 : vector<16xi32>
      %and3A_175 = arith.constant 127 : i32
      %and3A_176 = vector.broadcast %and3A_175 : i32 to vector<16xi32>
      %and3A_177 = arith.andi %get3A_165, %and3A_176 : vector<16xi32>
      %add3A_178 = arith.addi %shift_left3A_174, %and3A_177 : vector<16xi32>
      %add3A_179 = arith.addi %add3A_43, %add3A_178 : vector<16xi32>
      %add3A_180 = vector.broadcast %shift_left3A_168 : i32 to vector<16xi32>
      %add3A_181 = arith.addi %add3A_180, %add3A_179 : vector<16xi32>
      %dma_start3A_182 = tpu.memref_slice %arg6[%mul3A_163] : memref<2048xf32, #tpu.memory_space<vmem>> -> memref<16xf32, #tpu.memory_space<vmem>>
      %dma_start3A_183 = arith.constant 0 : i32
      %dma_start3A_184 = tpu.memref_slice %arg2[%dma_start3A_183] : memref<33554432xf32, #tpu.memory_space<hbm>> -> memref<33554432xf32, #tpu.memory_space<hbm>>
      tpu.enqueue_indirect_dma source(%dma_start3A_184 : memref<33554432xf32, #tpu.memory_space<hbm>>) target(%dma_start3A_182 : memref<16xf32, #tpu.memory_space<vmem>>) offsets(%add3A_181 : vector<16xi32>) semaphore(%arg10 : memref<!tpu.dma_semaphore, #tpu.memory_space<semaphore_mem>>)
      %scan3A_185 = arith.constant 0 : i32
      %scan3A_186 = arith.constant 1 : i32
      %scan3A_187 = arith.addi %scan3A_160, %scan3A_186 : i32
      %mul3A_188 = arith.constant 16 : i32
      %mul3A_189 = arith.muli %scan3A_187, %mul3A_188 : i32
      %get3A_190 = arith.index_cast %mul3A_189 : i32 to index
      %get3A_191 = tpu.vector_load %arg5[%get3A_190] {strides = array<i32>} : memref<2048xi32, #tpu.memory_space<vmem>>, vector<16xi32>,
      %get3A_192 = vector.shape_cast %get3A_191 : vector<16xi32> to vector<16xi32>
      %add3A_193 = arith.addi %mul3A_2, %mul3A_189 : i32
      %shift_left3A_194 = arith.constant 9 : i32
      %shift_left3A_195 = arith.shli %add3A_193, %shift_left3A_194 : i32
      %shift_right_arithmetic3A_196 = arith.constant 7 : i32
      %shift_right_arithmetic3A_197 = vector.broadcast %shift_right_arithmetic3A_196 : i32 to vector<16xi32>
      %shift_right_arithmetic3A_198 = arith.shrsi %get3A_192, %shift_right_arithmetic3A_197 : vector<16xi32>
      %shift_left3A_199 = arith.constant 10 : i32
      %shift_left3A_200 = vector.broadcast %shift_left3A_199 : i32 to vector<16xi32>
      %shift_left3A_201 = arith.shli %shift_right_arithmetic3A_198, %shift_left3A_200 : vector<16xi32>
      %and3A_202 = arith.constant 127 : i32
      %and3A_203 = vector.broadcast %and3A_202 : i32 to vector<16xi32>
      %and3A_204 = arith.andi %get3A_192, %and3A_203 : vector<16xi32>
      %add3A_205 = arith.addi %shift_left3A_201, %and3A_204 : vector<16xi32>
      %add3A_206 = arith.addi %add3A_43, %add3A_205 : vector<16xi32>
      %add3A_207 = vector.broadcast %shift_left3A_195 : i32 to vector<16xi32>
      %add3A_208 = arith.addi %add3A_207, %add3A_206 : vector<16xi32>
      %dma_start3A_209 = tpu.memref_slice %arg6[%mul3A_189] : memref<2048xf32, #tpu.memory_space<vmem>> -> memref<16xf32, #tpu.memory_space<vmem>>
      %dma_start3A_210 = arith.constant 0 : i32
      %dma_start3A_211 = tpu.memref_slice %arg2[%dma_start3A_210] : memref<33554432xf32, #tpu.memory_space<hbm>> -> memref<33554432xf32, #tpu.memory_space<hbm>>
      tpu.enqueue_indirect_dma source(%dma_start3A_211 : memref<33554432xf32, #tpu.memory_space<hbm>>) target(%dma_start3A_209 : memref<16xf32, #tpu.memory_space<vmem>>) offsets(%add3A_208 : vector<16xi32>) semaphore(%arg10 : memref<!tpu.dma_semaphore, #tpu.memory_space<semaphore_mem>>)
      %scan3A_212 = arith.constant 0 : i32
      scf.yield %scan3A_212 : i32
    }
    %scan3A_80 = arith.constant 32 : i32
    %dma_wait3A_81 = arith.constant 1536 : i32
    %dma_wait3A_82 = tpu.memref_slice %arg5[%dma_wait3A_81] : memref<2048xi32, #tpu.memory_space<vmem>> -> memref<512xi32, #tpu.memory_space<vmem>>
    %dma_wait3A_83 = tpu.memref_slice %arg3[%add3A_27] : memref<65536xi32, #tpu.memory_space<hbm>> -> memref<512xi32, #tpu.memory_space<hbm>>
    %dma_wait3A_84 = arith.constant 1536 : i32
    %dma_wait3A_85 = tpu.memref_slice %arg5[%dma_wait3A_84] : memref<2048xi32, #tpu.memory_space<vmem>> -> memref<512xi32, #tpu.memory_space<vmem>>
    %dma_wait3A_86 = tpu.memref_slice %arg3[%add3A_27] : memref<65536xi32, #tpu.memory_space<hbm>> -> memref<512xi32, #tpu.memory_space<hbm>>
    tpu.wait_dma2 semaphore(%arg15 : memref<!tpu.dma_semaphore, #tpu.memory_space<semaphore_mem>>) src(%dma_wait3A_86 : memref<512xi32, #tpu.memory_space<hbm>>) dst(%dma_wait3A_85 : memref<512xi32, #tpu.memory_space<vmem>>)
    %scan3A_87 = arith.constant 0 : i32
    %scan3A_88 = arith.constant 96 : i32
    %scan3A_89 = arith.constant 32 : i32
    %scan3A_90 = arith.addi %scan3A_88, %scan3A_89 : i32
    %scan3A_91 = arith.constant 2 : i32
    %scan3A_92 = scf.for %scan3A_160 = %scan3A_88 to %scan3A_90 step %scan3A_91 iter_args(%scan3A_161 = %scan3A_87) -> (i32)  : i32 {
      %mul3A_162 = arith.constant 16 : i32
      %mul3A_163 = arith.muli %scan3A_160, %mul3A_162 : i32
      %get3A = arith.index_cast %mul3A_163 : i32 to index
      %get3A_164 = tpu.vector_load %arg5[%get3A] {strides = array<i32>} : memref<2048xi32, #tpu.memory_space<vmem>>, vector<16xi32>,
      %get3A_165 = vector.shape_cast %get3A_164 : vector<16xi32> to vector<16xi32>
      %add3A_166 = arith.addi %mul3A_2, %mul3A_163 : i32
      %shift_left3A_167 = arith.constant 9 : i32
      %shift_left3A_168 = arith.shli %add3A_166, %shift_left3A_167 : i32
      %shift_right_arithmetic3A_169 = arith.constant 7 : i32
      %shift_right_arithmetic3A_170 = vector.broadcast %shift_right_arithmetic3A_169 : i32 to vector<16xi32>
      %shift_right_arithmetic3A_171 = arith.shrsi %get3A_165, %shift_right_arithmetic3A_170 : vector<16xi32>
      %shift_left3A_172 = arith.constant 10 : i32
      %shift_left3A_173 = vector.broadcast %shift_left3A_172 : i32 to vector<16xi32>
      %shift_left3A_174 = arith.shli %shift_right_arithmetic3A_171, %shift_left3A_173 : vector<16xi32>
      %and3A_175 = arith.constant 127 : i32
      %and3A_176 = vector.broadcast %and3A_175 : i32 to vector<16xi32>
      %and3A_177 = arith.andi %get3A_165, %and3A_176 : vector<16xi32>
      %add3A_178 = arith.addi %shift_left3A_174, %and3A_177 : vector<16xi32>
      %add3A_179 = arith.addi %add3A_43, %add3A_178 : vector<16xi32>
      %add3A_180 = vector.broadcast %shift_left3A_168 : i32 to vector<16xi32>
      %add3A_181 = arith.addi %add3A_180, %add3A_179 : vector<16xi32>
      %dma_start3A_182 = tpu.memref_slice %arg6[%mul3A_163] : memref<2048xf32, #tpu.memory_space<vmem>> -> memref<16xf32, #tpu.memory_space<vmem>>
      %dma_start3A_183 = arith.constant 0 : i32
      %dma_start3A_184 = tpu.memref_slice %arg2[%dma_start3A_183] : memref<33554432xf32, #tpu.memory_space<hbm>> -> memref<33554432xf32, #tpu.memory_space<hbm>>
      tpu.enqueue_indirect_dma source(%dma_start3A_184 : memref<33554432xf32, #tpu.memory_space<hbm>>) target(%dma_start3A_182 : memref<16xf32, #tpu.memory_space<vmem>>) offsets(%add3A_181 : vector<16xi32>) semaphore(%arg11 : memref<!tpu.dma_semaphore, #tpu.memory_space<semaphore_mem>>)
      %scan3A_185 = arith.constant 0 : i32
      %scan3A_186 = arith.constant 1 : i32
      %scan3A_187 = arith.addi %scan3A_160, %scan3A_186 : i32
      %mul3A_188 = arith.constant 16 : i32
      %mul3A_189 = arith.muli %scan3A_187, %mul3A_188 : i32
      %get3A_190 = arith.index_cast %mul3A_189 : i32 to index
      %get3A_191 = tpu.vector_load %arg5[%get3A_190] {strides = array<i32>} : memref<2048xi32, #tpu.memory_space<vmem>>, vector<16xi32>,
      %get3A_192 = vector.shape_cast %get3A_191 : vector<16xi32> to vector<16xi32>
      %add3A_193 = arith.addi %mul3A_2, %mul3A_189 : i32
      %shift_left3A_194 = arith.constant 9 : i32
      %shift_left3A_195 = arith.shli %add3A_193, %shift_left3A_194 : i32
      %shift_right_arithmetic3A_196 = arith.constant 7 : i32
      %shift_right_arithmetic3A_197 = vector.broadcast %shift_right_arithmetic3A_196 : i32 to vector<16xi32>
      %shift_right_arithmetic3A_198 = arith.shrsi %get3A_192, %shift_right_arithmetic3A_197 : vector<16xi32>
      %shift_left3A_199 = arith.constant 10 : i32
      %shift_left3A_200 = vector.broadcast %shift_left3A_199 : i32 to vector<16xi32>
      %shift_left3A_201 = arith.shli %shift_right_arithmetic3A_198, %shift_left3A_200 : vector<16xi32>
      %and3A_202 = arith.constant 127 : i32
      %and3A_203 = vector.broadcast %and3A_202 : i32 to vector<16xi32>
      %and3A_204 = arith.andi %get3A_192, %and3A_203 : vector<16xi32>
      %add3A_205 = arith.addi %shift_left3A_201, %and3A_204 : vector<16xi32>
      %add3A_206 = arith.addi %add3A_43, %add3A_205 : vector<16xi32>
      %add3A_207 = vector.broadcast %shift_left3A_195 : i32 to vector<16xi32>
      %add3A_208 = arith.addi %add3A_207, %add3A_206 : vector<16xi32>
      %dma_start3A_209 = tpu.memref_slice %arg6[%mul3A_189] : memref<2048xf32, #tpu.memory_space<vmem>> -> memref<16xf32, #tpu.memory_space<vmem>>
      %dma_start3A_210 = arith.constant 0 : i32
      %dma_start3A_211 = tpu.memref_slice %arg2[%dma_start3A_210] : memref<33554432xf32, #tpu.memory_space<hbm>> -> memref<33554432xf32, #tpu.memory_space<hbm>>
      tpu.enqueue_indirect_dma source(%dma_start3A_211 : memref<33554432xf32, #tpu.memory_space<hbm>>) target(%dma_start3A_209 : memref<16xf32, #tpu.memory_space<vmem>>) offsets(%add3A_208 : vector<16xi32>) semaphore(%arg11 : memref<!tpu.dma_semaphore, #tpu.memory_space<semaphore_mem>>)
      %scan3A_212 = arith.constant 0 : i32
      scf.yield %scan3A_212 : i32
    }
    %scan3A_93 = arith.constant 32 : i32
    %broadcast_in_dim3A = arith.constant 1.000000e+00 : f32
    %broadcast_in_dim3A_94 = vector.broadcast %broadcast_in_dim3A : f32 to vector<16xf32>
    %broadcast_in_dim3A_95 = arith.constant 0.000000e+00 : f32
    %broadcast_in_dim3A_96 = vector.broadcast %broadcast_in_dim3A_95 : f32 to vector<16xf32>
    %dma_wait3A_97 = arith.constant 0 : i32
    %dma_wait3A_98 = tpu.memref_slice %arg6[%dma_wait3A_97] : memref<2048xf32, #tpu.memory_space<vmem>> -> memref<512xf32, #tpu.memory_space<vmem>>
    %dma_wait3A_99 = arith.constant 0 : i32
    %dma_wait3A_100 = tpu.memref_slice %arg2[%dma_wait3A_99] : memref<33554432xf32, #tpu.memory_space<hbm>> -> memref<512xf32, #tpu.memory_space<hbm>>
    %dma_wait3A_101 = arith.constant 0 : i32
    %dma_wait3A_102 = tpu.memref_slice %arg6[%dma_wait3A_101] : memref<2048xf32, #tpu.memory_space<vmem>> -> memref<512xf32, #tpu.memory_space<vmem>>
    %dma_wait3A_103 = arith.constant 0 : i32
    %dma_wait3A_104 = tpu.memref_slice %arg2[%dma_wait3A_103] : memref<33554432xf32, #tpu.memory_space<hbm>> -> memref<512xf32, #tpu.memory_space<hbm>>
    tpu.wait_dma2 semaphore(%arg8 : memref<!tpu.dma_semaphore, #tpu.memory_space<semaphore_mem>>) src(%dma_wait3A_104 : memref<512xf32, #tpu.memory_space<hbm>>) dst(%dma_wait3A_102 : memref<512xf32, #tpu.memory_space<vmem>>)
    %scan3A_105 = arith.constant 0 : i32
    %scan3A_106 = arith.constant 32 : i32
    %scan3A_107 = arith.addi %scan3A_105, %scan3A_106 : i32
    %scan3A_108 = arith.constant 2 : i32
    %scan3A_109:2 = scf.for %scan3A_160 = %scan3A_105 to %scan3A_107 step %scan3A_108 iter_args(%scan3A_161 = %broadcast_in_dim3A_96, %scan3A_162 = %broadcast_in_dim3A_96) -> (vector<16xf32>, vector<16xf32>)  : i32 {
      %mul3A_163 = arith.constant 16 : i32
      %mul3A_164 = arith.muli %scan3A_160, %mul3A_163 : i32
      %get3A = arith.index_cast %mul3A_164 : i32 to index
      %get3A_165 = tpu.vector_load %arg5[%get3A] {strides = array<i32>} : memref<2048xi32, #tpu.memory_space<vmem>>, vector<16xi32>,
      %get3A_166 = vector.shape_cast %get3A_165 : vector<16xi32> to vector<16xi32>
      %get3A_167 = arith.index_cast %mul3A_164 : i32 to index
      %get3A_168 = tpu.vector_load %arg6[%get3A_167] {strides = array<i32>} : memref<2048xf32, #tpu.memory_space<vmem>>, vector<16xf32>,
      %get3A_169 = vector.shape_cast %get3A_168 : vector<16xf32> to vector<16xf32>
      %ne3A = arith.constant 255 : i32
      %ne3A_170 = vector.broadcast %ne3A : i32 to vector<16xi32>
      %ne3A_171 = arith.cmpi ne, %get3A_166, %ne3A_170 : vector<16xi32>
      %sub3A = arith.constant 1.000000e+00 : f32
      %sub3A_172 = vector.broadcast %sub3A : f32 to vector<16xf32>
      %sub3A_173 = arith.subf %sub3A_172, %get3A_169 : vector<16xf32>
      %jit3A = arith.constant 0.000000e+00 : f32
      %broadcast_in_dim3A_174 = vector.broadcast %jit3A : f32 to vector<16xf32>
      %select_n3A = arith.select %ne3A_171, %sub3A_173, %broadcast_in_dim3A_174 : vector<16xi1>, vector<16xf32>
      %mul3A_175 = arith.mulf %select_n3A, %select_n3A : vector<16xf32>
      %add3A_176 = arith.addf %scan3A_161, %mul3A_175 : vector<16xf32>
      %select_n3A_177 = arith.select %ne3A_171, %broadcast_in_dim3A_94, %broadcast_in_dim3A_96 : vector<16xi1>, vector<16xf32>
      %add3A_178 = arith.addf %scan3A_162, %select_n3A_177 : vector<16xf32>
      %scan3A_179 = arith.constant 1 : i32
      %scan3A_180 = arith.addi %scan3A_160, %scan3A_179 : i32
      %mul3A_181 = arith.constant 16 : i32
      %mul3A_182 = arith.muli %scan3A_180, %mul3A_181 : i32
      %get3A_183 = arith.index_cast %mul3A_182 : i32 to index
      %get3A_184 = tpu.vector_load %arg5[%get3A_183] {strides = array<i32>} : memref<2048xi32, #tpu.memory_space<vmem>>, vector<16xi32>,
      %get3A_185 = vector.shape_cast %get3A_184 : vector<16xi32> to vector<16xi32>
      %get3A_186 = arith.index_cast %mul3A_182 : i32 to index
      %get3A_187 = tpu.vector_load %arg6[%get3A_186] {strides = array<i32>} : memref<2048xf32, #tpu.memory_space<vmem>>, vector<16xf32>,
      %get3A_188 = vector.shape_cast %get3A_187 : vector<16xf32> to vector<16xf32>
      %ne3A_189 = arith.constant 255 : i32
      %ne3A_190 = vector.broadcast %ne3A_189 : i32 to vector<16xi32>
      %ne3A_191 = arith.cmpi ne, %get3A_185, %ne3A_190 : vector<16xi32>
      %sub3A_192 = arith.constant 1.000000e+00 : f32
      %sub3A_193 = vector.broadcast %sub3A_192 : f32 to vector<16xf32>
      %sub3A_194 = arith.subf %sub3A_193, %get3A_188 : vector<16xf32>
      %jit3A_195 = arith.constant 0.000000e+00 : f32
      %broadcast_in_dim3A_196 = vector.broadcast %jit3A_195 : f32 to vector<16xf32>
      %select_n3A_197 = arith.select %ne3A_191, %sub3A_194, %broadcast_in_dim3A_196 : vector<16xi1>, vector<16xf32>
      %mul3A_198 = arith.mulf %select_n3A_197, %select_n3A_197 : vector<16xf32>
      %add3A_199 = arith.addf %add3A_176, %mul3A_198 : vector<16xf32>
      %select_n3A_200 = arith.select %ne3A_191, %broadcast_in_dim3A_94, %broadcast_in_dim3A_96 : vector<16xi1>, vector<16xf32>
      %add3A_201 = arith.addf %add3A_178, %select_n3A_200 : vector<16xf32>
      scf.yield %add3A_199, %add3A_201 : vector<16xf32>, vector<16xf32>
    }
    %scan3A_110 = arith.constant 32 : i32
    %dma_wait3A_111 = arith.constant 512 : i32
    %dma_wait3A_112 = tpu.memref_slice %arg6[%dma_wait3A_111] : memref<2048xf32, #tpu.memory_space<vmem>> -> memref<512xf32, #tpu.memory_space<vmem>>
    %dma_wait3A_113 = arith.constant 0 : i32
    %dma_wait3A_114 = tpu.memref_slice %arg2[%dma_wait3A_113] : memref<33554432xf32, #tpu.memory_space<hbm>> -> memref<512xf32, #tpu.memory_space<hbm>>
    %dma_wait3A_115 = arith.constant 512 : i32
    %dma_wait3A_116 = tpu.memref_slice %arg6[%dma_wait3A_115] : memref<2048xf32, #tpu.memory_space<vmem>> -> memref<512xf32, #tpu.memory_space<vmem>>
    %dma_wait3A_117 = arith.constant 0 : i32
    %dma_wait3A_118 = tpu.memref_slice %arg2[%dma_wait3A_117] : memref<33554432xf32, #tpu.memory_space<hbm>> -> memref<512xf32, #tpu.memory_space<hbm>>
    tpu.wait_dma2 semaphore(%arg9 : memref<!tpu.dma_semaphore, #tpu.memory_space<semaphore_mem>>) src(%dma_wait3A_118 : memref<512xf32, #tpu.memory_space<hbm>>) dst(%dma_wait3A_116 : memref<512xf32, #tpu.memory_space<vmem>>)
    %scan3A_119 = arith.constant 32 : i32
    %scan3A_120 = arith.constant 32 : i32
    %scan3A_121 = arith.addi %scan3A_119, %scan3A_120 : i32
    %scan3A_122 = arith.constant 2 : i32
    %scan3A_123:2 = scf.for %scan3A_160 = %scan3A_119 to %scan3A_121 step %scan3A_122 iter_args(%scan3A_161 = %scan3A_109#0, %scan3A_162 = %scan3A_109#1) -> (vector<16xf32>, vector<16xf32>)  : i32 {
      %mul3A_163 = arith.constant 16 : i32
      %mul3A_164 = arith.muli %scan3A_160, %mul3A_163 : i32
      %get3A = arith.index_cast %mul3A_164 : i32 to index
      %get3A_165 = tpu.vector_load %arg5[%get3A] {strides = array<i32>} : memref<2048xi32, #tpu.memory_space<vmem>>, vector<16xi32>,
      %get3A_166 = vector.shape_cast %get3A_165 : vector<16xi32> to vector<16xi32>
      %get3A_167 = arith.index_cast %mul3A_164 : i32 to index
      %get3A_168 = tpu.vector_load %arg6[%get3A_167] {strides = array<i32>} : memref<2048xf32, #tpu.memory_space<vmem>>, vector<16xf32>,
      %get3A_169 = vector.shape_cast %get3A_168 : vector<16xf32> to vector<16xf32>
      %ne3A = arith.constant 255 : i32
      %ne3A_170 = vector.broadcast %ne3A : i32 to vector<16xi32>
      %ne3A_171 = arith.cmpi ne, %get3A_166, %ne3A_170 : vector<16xi32>
      %sub3A = arith.constant 1.000000e+00 : f32
      %sub3A_172 = vector.broadcast %sub3A : f32 to vector<16xf32>
      %sub3A_173 = arith.subf %sub3A_172, %get3A_169 : vector<16xf32>
      %jit3A = arith.constant 0.000000e+00 : f32
      %broadcast_in_dim3A_174 = vector.broadcast %jit3A : f32 to vector<16xf32>
      %select_n3A = arith.select %ne3A_171, %sub3A_173, %broadcast_in_dim3A_174 : vector<16xi1>, vector<16xf32>
      %mul3A_175 = arith.mulf %select_n3A, %select_n3A : vector<16xf32>
      %add3A_176 = arith.addf %scan3A_161, %mul3A_175 : vector<16xf32>
      %select_n3A_177 = arith.select %ne3A_171, %broadcast_in_dim3A_94, %broadcast_in_dim3A_96 : vector<16xi1>, vector<16xf32>
      %add3A_178 = arith.addf %scan3A_162, %select_n3A_177 : vector<16xf32>
      %scan3A_179 = arith.constant 1 : i32
      %scan3A_180 = arith.addi %scan3A_160, %scan3A_179 : i32
      %mul3A_181 = arith.constant 16 : i32
      %mul3A_182 = arith.muli %scan3A_180, %mul3A_181 : i32
      %get3A_183 = arith.index_cast %mul3A_182 : i32 to index
      %get3A_184 = tpu.vector_load %arg5[%get3A_183] {strides = array<i32>} : memref<2048xi32, #tpu.memory_space<vmem>>, vector<16xi32>,
      %get3A_185 = vector.shape_cast %get3A_184 : vector<16xi32> to vector<16xi32>
      %get3A_186 = arith.index_cast %mul3A_182 : i32 to index
      %get3A_187 = tpu.vector_load %arg6[%get3A_186] {strides = array<i32>} : memref<2048xf32, #tpu.memory_space<vmem>>, vector<16xf32>,
      %get3A_188 = vector.shape_cast %get3A_187 : vector<16xf32> to vector<16xf32>
      %ne3A_189 = arith.constant 255 : i32
      %ne3A_190 = vector.broadcast %ne3A_189 : i32 to vector<16xi32>
      %ne3A_191 = arith.cmpi ne, %get3A_185, %ne3A_190 : vector<16xi32>
      %sub3A_192 = arith.constant 1.000000e+00 : f32
      %sub3A_193 = vector.broadcast %sub3A_192 : f32 to vector<16xf32>
      %sub3A_194 = arith.subf %sub3A_193, %get3A_188 : vector<16xf32>
      %jit3A_195 = arith.constant 0.000000e+00 : f32
      %broadcast_in_dim3A_196 = vector.broadcast %jit3A_195 : f32 to vector<16xf32>
      %select_n3A_197 = arith.select %ne3A_191, %sub3A_194, %broadcast_in_dim3A_196 : vector<16xi1>, vector<16xf32>
      %mul3A_198 = arith.mulf %select_n3A_197, %select_n3A_197 : vector<16xf32>
      %add3A_199 = arith.addf %add3A_176, %mul3A_198 : vector<16xf32>
      %select_n3A_200 = arith.select %ne3A_191, %broadcast_in_dim3A_94, %broadcast_in_dim3A_96 : vector<16xi1>, vector<16xf32>
      %add3A_201 = arith.addf %add3A_178, %select_n3A_200 : vector<16xf32>
      scf.yield %add3A_199, %add3A_201 : vector<16xf32>, vector<16xf32>
    }
    %scan3A_124 = arith.constant 32 : i32
    %dma_wait3A_125 = arith.constant 1024 : i32
    %dma_wait3A_126 = tpu.memref_slice %arg6[%dma_wait3A_125] : memref<2048xf32, #tpu.memory_space<vmem>> -> memref<512xf32, #tpu.memory_space<vmem>>
    %dma_wait3A_127 = arith.constant 0 : i32
    %dma_wait3A_128 = tpu.memref_slice %arg2[%dma_wait3A_127] : memref<33554432xf32, #tpu.memory_space<hbm>> -> memref<512xf32, #tpu.memory_space<hbm>>
    %dma_wait3A_129 = arith.constant 1024 : i32
    %dma_wait3A_130 = tpu.memref_slice %arg6[%dma_wait3A_129] : memref<2048xf32, #tpu.memory_space<vmem>> -> memref<512xf32, #tpu.memory_space<vmem>>
    %dma_wait3A_131 = arith.constant 0 : i32
    %dma_wait3A_132 = tpu.memref_slice %arg2[%dma_wait3A_131] : memref<33554432xf32, #tpu.memory_space<hbm>> -> memref<512xf32, #tpu.memory_space<hbm>>
    tpu.wait_dma2 semaphore(%arg10 : memref<!tpu.dma_semaphore, #tpu.memory_space<semaphore_mem>>) src(%dma_wait3A_132 : memref<512xf32, #tpu.memory_space<hbm>>) dst(%dma_wait3A_130 : memref<512xf32, #tpu.memory_space<vmem>>)
    %scan3A_133 = arith.constant 64 : i32
    %scan3A_134 = arith.constant 32 : i32
    %scan3A_135 = arith.addi %scan3A_133, %scan3A_134 : i32
    %scan3A_136 = arith.constant 2 : i32
    %scan3A_137:2 = scf.for %scan3A_160 = %scan3A_133 to %scan3A_135 step %scan3A_136 iter_args(%scan3A_161 = %scan3A_123#0, %scan3A_162 = %scan3A_123#1) -> (vector<16xf32>, vector<16xf32>)  : i32 {
      %mul3A_163 = arith.constant 16 : i32
      %mul3A_164 = arith.muli %scan3A_160, %mul3A_163 : i32
      %get3A = arith.index_cast %mul3A_164 : i32 to index
      %get3A_165 = tpu.vector_load %arg5[%get3A] {strides = array<i32>} : memref<2048xi32, #tpu.memory_space<vmem>>, vector<16xi32>,
      %get3A_166 = vector.shape_cast %get3A_165 : vector<16xi32> to vector<16xi32>
      %get3A_167 = arith.index_cast %mul3A_164 : i32 to index
      %get3A_168 = tpu.vector_load %arg6[%get3A_167] {strides = array<i32>} : memref<2048xf32, #tpu.memory_space<vmem>>, vector<16xf32>,
      %get3A_169 = vector.shape_cast %get3A_168 : vector<16xf32> to vector<16xf32>
      %ne3A = arith.constant 255 : i32
      %ne3A_170 = vector.broadcast %ne3A : i32 to vector<16xi32>
      %ne3A_171 = arith.cmpi ne, %get3A_166, %ne3A_170 : vector<16xi32>
      %sub3A = arith.constant 1.000000e+00 : f32
      %sub3A_172 = vector.broadcast %sub3A : f32 to vector<16xf32>
      %sub3A_173 = arith.subf %sub3A_172, %get3A_169 : vector<16xf32>
      %jit3A = arith.constant 0.000000e+00 : f32
      %broadcast_in_dim3A_174 = vector.broadcast %jit3A : f32 to vector<16xf32>
      %select_n3A = arith.select %ne3A_171, %sub3A_173, %broadcast_in_dim3A_174 : vector<16xi1>, vector<16xf32>
      %mul3A_175 = arith.mulf %select_n3A, %select_n3A : vector<16xf32>
      %add3A_176 = arith.addf %scan3A_161, %mul3A_175 : vector<16xf32>
      %select_n3A_177 = arith.select %ne3A_171, %broadcast_in_dim3A_94, %broadcast_in_dim3A_96 : vector<16xi1>, vector<16xf32>
      %add3A_178 = arith.addf %scan3A_162, %select_n3A_177 : vector<16xf32>
      %scan3A_179 = arith.constant 1 : i32
      %scan3A_180 = arith.addi %scan3A_160, %scan3A_179 : i32
      %mul3A_181 = arith.constant 16 : i32
      %mul3A_182 = arith.muli %scan3A_180, %mul3A_181 : i32
      %get3A_183 = arith.index_cast %mul3A_182 : i32 to index
      %get3A_184 = tpu.vector_load %arg5[%get3A_183] {strides = array<i32>} : memref<2048xi32, #tpu.memory_space<vmem>>, vector<16xi32>,
      %get3A_185 = vector.shape_cast %get3A_184 : vector<16xi32> to vector<16xi32>
      %get3A_186 = arith.index_cast %mul3A_182 : i32 to index
      %get3A_187 = tpu.vector_load %arg6[%get3A_186] {strides = array<i32>} : memref<2048xf32, #tpu.memory_space<vmem>>, vector<16xf32>,
      %get3A_188 = vector.shape_cast %get3A_187 : vector<16xf32> to vector<16xf32>
      %ne3A_189 = arith.constant 255 : i32
      %ne3A_190 = vector.broadcast %ne3A_189 : i32 to vector<16xi32>
      %ne3A_191 = arith.cmpi ne, %get3A_185, %ne3A_190 : vector<16xi32>
      %sub3A_192 = arith.constant 1.000000e+00 : f32
      %sub3A_193 = vector.broadcast %sub3A_192 : f32 to vector<16xf32>
      %sub3A_194 = arith.subf %sub3A_193, %get3A_188 : vector<16xf32>
      %jit3A_195 = arith.constant 0.000000e+00 : f32
      %broadcast_in_dim3A_196 = vector.broadcast %jit3A_195 : f32 to vector<16xf32>
      %select_n3A_197 = arith.select %ne3A_191, %sub3A_194, %broadcast_in_dim3A_196 : vector<16xi1>, vector<16xf32>
      %mul3A_198 = arith.mulf %select_n3A_197, %select_n3A_197 : vector<16xf32>
      %add3A_199 = arith.addf %add3A_176, %mul3A_198 : vector<16xf32>
      %select_n3A_200 = arith.select %ne3A_191, %broadcast_in_dim3A_94, %broadcast_in_dim3A_96 : vector<16xi1>, vector<16xf32>
      %add3A_201 = arith.addf %add3A_178, %select_n3A_200 : vector<16xf32>
      scf.yield %add3A_199, %add3A_201 : vector<16xf32>, vector<16xf32>
    }
    %scan3A_138 = arith.constant 32 : i32
    %dma_wait3A_139 = arith.constant 1536 : i32
    %dma_wait3A_140 = tpu.memref_slice %arg6[%dma_wait3A_139] : memref<2048xf32, #tpu.memory_space<vmem>> -> memref<512xf32, #tpu.memory_space<vmem>>
    %dma_wait3A_141 = arith.constant 0 : i32
    %dma_wait3A_142 = tpu.memref_slice %arg2[%dma_wait3A_141] : memref<33554432xf32, #tpu.memory_space<hbm>> -> memref<512xf32, #tpu.memory_space<hbm>>
    %dma_wait3A_143 = arith.constant 1536 : i32
    %dma_wait3A_144 = tpu.memref_slice %arg6[%dma_wait3A_143] : memref<2048xf32, #tpu.memory_space<vmem>> -> memref<512xf32, #tpu.memory_space<vmem>>
    %dma_wait3A_145 = arith.constant 0 : i32
    %dma_wait3A_146 = tpu.memref_slice %arg2[%dma_wait3A_145] : memref<33554432xf32, #tpu.memory_space<hbm>> -> memref<512xf32, #tpu.memory_space<hbm>>
    tpu.wait_dma2 semaphore(%arg11 : memref<!tpu.dma_semaphore, #tpu.memory_space<semaphore_mem>>) src(%dma_wait3A_146 : memref<512xf32, #tpu.memory_space<hbm>>) dst(%dma_wait3A_144 : memref<512xf32, #tpu.memory_space<vmem>>)
    %scan3A_147 = arith.constant 96 : i32
    %scan3A_148 = arith.constant 32 : i32
    %scan3A_149 = arith.addi %scan3A_147, %scan3A_148 : i32
    %scan3A_150 = arith.constant 2 : i32
    %scan3A_151:2 = scf.for %scan3A_160 = %scan3A_147 to %scan3A_149 step %scan3A_150 iter_args(%scan3A_161 = %scan3A_137#0, %scan3A_162 = %scan3A_137#1) -> (vector<16xf32>, vector<16xf32>)  : i32 {
      %mul3A_163 = arith.constant 16 : i32
      %mul3A_164 = arith.muli %scan3A_160, %mul3A_163 : i32
      %get3A = arith.index_cast %mul3A_164 : i32 to index
      %get3A_165 = tpu.vector_load %arg5[%get3A] {strides = array<i32>} : memref<2048xi32, #tpu.memory_space<vmem>>, vector<16xi32>,
      %get3A_166 = vector.shape_cast %get3A_165 : vector<16xi32> to vector<16xi32>
      %get3A_167 = arith.index_cast %mul3A_164 : i32 to index
      %get3A_168 = tpu.vector_load %arg6[%get3A_167] {strides = array<i32>} : memref<2048xf32, #tpu.memory_space<vmem>>, vector<16xf32>,
      %get3A_169 = vector.shape_cast %get3A_168 : vector<16xf32> to vector<16xf32>
      %ne3A = arith.constant 255 : i32
      %ne3A_170 = vector.broadcast %ne3A : i32 to vector<16xi32>
      %ne3A_171 = arith.cmpi ne, %get3A_166, %ne3A_170 : vector<16xi32>
      %sub3A = arith.constant 1.000000e+00 : f32
      %sub3A_172 = vector.broadcast %sub3A : f32 to vector<16xf32>
      %sub3A_173 = arith.subf %sub3A_172, %get3A_169 : vector<16xf32>
      %jit3A = arith.constant 0.000000e+00 : f32
      %broadcast_in_dim3A_174 = vector.broadcast %jit3A : f32 to vector<16xf32>
      %select_n3A = arith.select %ne3A_171, %sub3A_173, %broadcast_in_dim3A_174 : vector<16xi1>, vector<16xf32>
      %mul3A_175 = arith.mulf %select_n3A, %select_n3A : vector<16xf32>
      %add3A_176 = arith.addf %scan3A_161, %mul3A_175 : vector<16xf32>
      %select_n3A_177 = arith.select %ne3A_171, %broadcast_in_dim3A_94, %broadcast_in_dim3A_96 : vector<16xi1>, vector<16xf32>
      %add3A_178 = arith.addf %scan3A_162, %select_n3A_177 : vector<16xf32>
      %scan3A_179 = arith.constant 1 : i32
      %scan3A_180 = arith.addi %scan3A_160, %scan3A_179 : i32
      %mul3A_181 = arith.constant 16 : i32
      %mul3A_182 = arith.muli %scan3A_180, %mul3A_181 : i32
      %get3A_183 = arith.index_cast %mul3A_182 : i32 to index
      %get3A_184 = tpu.vector_load %arg5[%get3A_183] {strides = array<i32>} : memref<2048xi32, #tpu.memory_space<vmem>>, vector<16xi32>,
      %get3A_185 = vector.shape_cast %get3A_184 : vector<16xi32> to vector<16xi32>
      %get3A_186 = arith.index_cast %mul3A_182 : i32 to index
      %get3A_187 = tpu.vector_load %arg6[%get3A_186] {strides = array<i32>} : memref<2048xf32, #tpu.memory_space<vmem>>, vector<16xf32>,
      %get3A_188 = vector.shape_cast %get3A_187 : vector<16xf32> to vector<16xf32>
      %ne3A_189 = arith.constant 255 : i32
      %ne3A_190 = vector.broadcast %ne3A_189 : i32 to vector<16xi32>
      %ne3A_191 = arith.cmpi ne, %get3A_185, %ne3A_190 : vector<16xi32>
      %sub3A_192 = arith.constant 1.000000e+00 : f32
      %sub3A_193 = vector.broadcast %sub3A_192 : f32 to vector<16xf32>
      %sub3A_194 = arith.subf %sub3A_193, %get3A_188 : vector<16xf32>
      %jit3A_195 = arith.constant 0.000000e+00 : f32
      %broadcast_in_dim3A_196 = vector.broadcast %jit3A_195 : f32 to vector<16xf32>
      %select_n3A_197 = arith.select %ne3A_191, %sub3A_194, %broadcast_in_dim3A_196 : vector<16xi1>, vector<16xf32>
      %mul3A_198 = arith.mulf %select_n3A_197, %select_n3A_197 : vector<16xf32>
      %add3A_199 = arith.addf %add3A_176, %mul3A_198 : vector<16xf32>
      %select_n3A_200 = arith.select %ne3A_191, %broadcast_in_dim3A_94, %broadcast_in_dim3A_96 : vector<16xi1>, vector<16xf32>
      %add3A_201 = arith.addf %add3A_178, %select_n3A_200 : vector<16xf32>
      scf.yield %add3A_199, %add3A_201 : vector<16xf32>, vector<16xf32>
    }
    %scan3A_152 = arith.constant 32 : i32
    %swap3A = arith.constant 0 : index
    %swap3A_153 = tpu.vector_load %arg7[%swap3A] {strides = array<i32>} : memref<32xf32, #tpu.memory_space<vmem>>, vector<16xf32>,
    %swap3A_154 = vector.shape_cast %swap3A_153 : vector<16xf32> to vector<16xf32>
    %swap3A_155 = vector.shape_cast %scan3A_151#0 : vector<16xf32> to vector<16xf32>
    tpu.vector_store %arg7[%swap3A], %swap3A_155 {strides = array<i32>} : memref<32xf32, #tpu.memory_space<vmem>>, vector<16xf32>,
    %swap3A_156 = arith.constant 16 : index
    %swap3A_157 = tpu.vector_load %arg7[%swap3A_156] {strides = array<i32>} : memref<32xf32, #tpu.memory_space<vmem>>, vector<16xf32>,
    %swap3A_158 = vector.shape_cast %swap3A_157 : vector<16xf32> to vector<16xf32>
    %swap3A_159 = vector.shape_cast %scan3A_151#1 : vector<16xf32> to vector<16xf32>
    tpu.vector_store %arg7[%swap3A_156], %swap3A_159 {strides = array<i32>} : memref<32xf32, #tpu.memory_space<vmem>>, vector<16xf32>,
    "tpu.region"() ({
      %run_scoped3A = tpu.sem_alloc : memref<!tpu.dma_semaphore, #tpu.memory_space<semaphore_mem>>
      %dma_start3A_160 = arith.constant 0 : i32
      %dma_start3A_161 = tpu.memref_slice %arg4[%add3A, %dma_start3A_160] : memref<32x32xf32, #tpu.memory_space<hbm>> -> memref<1x32xf32, #tpu.memory_space<hbm>>
      %dma_start3A_162 = tpu.memref_squeeze %dma_start3A_161 : memref<1x32xf32, #tpu.memory_space<hbm>> -> memref<32xf32, #tpu.memory_space<hbm>>
      %dma_start3A_163 = arith.constant 0 : i32
      %dma_start3A_164 = tpu.memref_slice %arg4[%add3A, %dma_start3A_163] : memref<32x32xf32, #tpu.memory_space<hbm>> -> memref<1x32xf32, #tpu.memory_space<hbm>>
      %dma_start3A_165 = tpu.memref_squeeze %dma_start3A_164 : memref<1x32xf32, #tpu.memory_space<hbm>> -> memref<32xf32, #tpu.memory_space<hbm>>
      tpu.enqueue_dma source(%arg7 : memref<32xf32, #tpu.memory_space<vmem>>) target(%dma_start3A_165 : memref<32xf32, #tpu.memory_space<hbm>>) target_semaphore(%run_scoped3A : memref<!tpu.dma_semaphore, #tpu.memory_space<semaphore_mem>>)
      %dma_wait3A_166 = arith.constant 0 : i32
      %dma_wait3A_167 = tpu.memref_slice %arg4[%add3A, %dma_wait3A_166] : memref<32x32xf32, #tpu.memory_space<hbm>> -> memref<1x32xf32, #tpu.memory_space<hbm>>
      %dma_wait3A_168 = tpu.memref_squeeze %dma_wait3A_167 : memref<1x32xf32, #tpu.memory_space<hbm>> -> memref<32xf32, #tpu.memory_space<hbm>>
      %dma_wait3A_169 = arith.constant 0 : i32
      %dma_wait3A_170 = tpu.memref_slice %arg4[%add3A, %dma_wait3A_169] : memref<32x32xf32, #tpu.memory_space<hbm>> -> memref<1x32xf32, #tpu.memory_space<hbm>>
      %dma_wait3A_171 = tpu.memref_squeeze %dma_wait3A_170 : memref<1x32xf32, #tpu.memory_space<hbm>> -> memref<32xf32, #tpu.memory_space<hbm>>
      tpu.wait_dma2 semaphore(%run_scoped3A : memref<!tpu.dma_semaphore, #tpu.memory_space<semaphore_mem>>) src(%arg7 : memref<32xf32, #tpu.memory_space<vmem>>) dst(%dma_wait3A_171 : memref<32xf32, #tpu.memory_space<hbm>>)
      tpu.yield
    }) : () -> ()
    return
  }
}

module attributes {stable_mosaic.version = 14 : i64} {
  func.func @_finalize_body(%arg0: memref<32x32xf32, #tpu.memory_space<vmem>>, %arg1: memref<1x1xf32, #tpu.memory_space<vmem>>) attributes {dimension_semantics = [], scalar_prefetch = 0 : i64, scratch_operands = 0 : i64, tpu.core_type = #tpu.core_type<tc>} {
    %get3A = arith.constant 0 : index
    %get3A_0 = arith.constant 0 : index
    %get3A_1 = vector.load %arg0[%get3A, %get3A_0] : memref<32x32xf32, #tpu.memory_space<vmem>>, vector<32x32xf32>
    %slice3A = vector.extract_strided_slice %get3A_1 {offsets = [0, 0], sizes = [32, 16], strides = [1, 1]} : vector<32x32xf32> to vector<32x16xf32>
    %reduce_sum3A = vector.shape_cast %slice3A : vector<32x16xf32> to vector<1x32x16xf32>
    %reduce_sum3A_2 = arith.constant dense<0.000000e+00> : vector<1xf32>
    %reduce_sum3A_3 = vector.multi_reduction <add>, %reduce_sum3A, %reduce_sum3A_2 [1, 2] : vector<1x32x16xf32> to vector<1xf32>
    %reduce_sum3A_4 = vector.shape_cast %reduce_sum3A_3 : vector<1xf32> to vector<1x1x1xf32>
    %reduce_sum3A_5 = vector.extract %reduce_sum3A_4[0, 0, 0] : f32 from vector<1x1x1xf32>
    %slice3A_6 = vector.extract_strided_slice %get3A_1 {offsets = [0, 16], sizes = [32, 16], strides = [1, 1]} : vector<32x32xf32> to vector<32x16xf32>
    %reduce_sum3A_7 = vector.shape_cast %slice3A_6 : vector<32x16xf32> to vector<1x32x16xf32>
    %reduce_sum3A_8 = arith.constant dense<0.000000e+00> : vector<1xf32>
    %reduce_sum3A_9 = vector.multi_reduction <add>, %reduce_sum3A_7, %reduce_sum3A_8 [1, 2] : vector<1x32x16xf32> to vector<1xf32>
    %reduce_sum3A_10 = vector.shape_cast %reduce_sum3A_9 : vector<1xf32> to vector<1x1x1xf32>
    %reduce_sum3A_11 = vector.extract %reduce_sum3A_10[0, 0, 0] : f32 from vector<1x1x1xf32>
    %max3A = arith.constant 1.000000e+00 : f32
    %max3A_12 = arith.maximumf %reduce_sum3A_11, %max3A : f32
    %div3A = arith.divf %reduce_sum3A_5, %max3A_12 : f32
    %reshape3A = vector.broadcast %div3A : f32 to vector<1x1xf32>
    %swap3A = arith.constant 0 : index
    %swap3A_13 = arith.constant 0 : index
    %swap3A_14 = vector.load %arg1[%swap3A, %swap3A_13] : memref<1x1xf32, #tpu.memory_space<vmem>>, vector<1x1xf32>
    tpu.vector_store %arg1[%swap3A, %swap3A_13], %reshape3A {strides = array<i32>} : memref<1x1xf32, #tpu.memory_space<vmem>>, vector<1x1xf32>,
    return
  }
}

</mosaic_0001>

<sc_bundles>
// kernel: kernel.4.cloned.1.call-start
scs
__scs_entry_jumppad:
0x0: {  	(pc) =	sbr.rel $0x88, $3  }
0x1: {  	(tag) =	ssettag $0x0;
	lr =	simm.s32 $0x1  }
0x2: {  	[smem:$0x3F9F] =	sst lr;
	_ =	strace $0xD0000000  }
0x3: {  	_ = 	snop  }
0x4: {  	_ = 	snop  }
0x5: {  	_ = 	snop  }
0x6: {  	_ = 	snop  }
0x7: {  	_ = 	snop  }
__scs_overlays_trampoline_lowered:
0x8: {  	[smem:$0x3FAE] =	sst s0  }
0x9: {  	[smem:$0x3FAF] =	sst s1  }
0xa: {  	[smem:$0x3FB0] =	sst s2  }
0xb: {  	[smem:$0x3FB1] =	sst s3  }
0xc: {  	[smem:$0x3FB2] =	sst s4  }
0xd: {  	[smem:$0x3FB3] =	sst s5  }
0xe: {  	[smem:$0x3FB4] =	sst s6  }
0xf: {  	[smem:$0x3FB5] =	sst s7  }
0x10: {  	[smem:$0x3FB6] =	sst s8  }
0x11: {  	[smem:$0x3FB7] =	sst s9;
	s0 =	simm.s32 @!p0 $0x0  }
0x12: {  	s1 =	sld [smem:$0x3F9D];
	s0 =	simm.s32 @p0 $0x1  }
0x13: {  	[smem:$0x3FB8] =	sst s0;
	s0 =	simm.s32 @!p1 $0x0  }
0x14: {  	s2 =	sld [smem:$0x3F9C];
	s0 =	simm.s32 @p1 $0x1  }
0x15: {  	[smem:$0x3FB9] =	sst s0;
	s0 =	simm.s32 @!p2 $0x0  }
0x16: {  	s3 =	sld [smem:$0x3FDB];
	s0 =	simm.s32 @p2 $0x1  }
0x17: {  	s4 =	simm.s32 $0x1BF5;
	[smem:$0x3FBB] =	sst s0  }
0x18: {  	s0 =	sld [smem:$0x3F9E];
	_ =	swait.ge [sflag:s4], $0x0  }
0x19: {  	s7 =	sld [smem:$0x3F9F]  }
0x1a: {  	s8 =	sadd.s32 $0xFFFFE003, lr  }
0x1b: {  	s9 =	sadd.s32 $0xFFFFFEF7, lr;
	s5 =	simm.s32 $0xFFFFFFFF;
	p2 =	slt.u32 s8, $0xFFFFF086  }
0x1c: {  	p1 =	slt.u32 s9, $0xF7A;
	s5 =	simm.s32 @!p2 $0x0  }
0x1d: {  	s5 =	simm.s32 @p1 $0x1;
	p0 =	seq.s32 s7, s2  }
0x1e: {  	s7 =	smul.u32 @!p0 $0xF7A, s2;
	p2 =	seq.s32 @!p0 s5, $0x0  }
0x1f: {  	s9 =	smul.u32 $0xF7A, s1;
	s8 =	simm.s32 @!p0 $0x1BF5;
	p2 =	por !p2, p0  }
0x20: {  	[sflag:s8] =	ssyncset.s32 @!p0 $0xFFFFF086;
	s6 =	sadd.s32 @!p0 s3, s7;
	s7 =	simm.s32 @!p0 $0x108  }
0x21: {  	s3 =	sadd.s32 s3, s9;
	s6 =	sadd.s32 @!p0 $0x88, s6;
	s7 =	simm.s32 @p2 $0x1082  }
0x22: {  	[simem:s7], [sflag:s8] =	dma.local @!p0 [hbm:s6], $0xF7A  }
0x23: {  	s9 =	sor.u32 $0xD0000000, s2;
	s6 =	simm.s32 $0x108;
	_ =	swait.ge @!p0 [sflag:s8], $0x0  }
0x24: {  	s3 =	sadd.s32 $0x88, s3;
	s6 =	simm.s32 @!p1 $0x1082;
	[sflag:s4] =	ssyncset.s32 $0xFFFFF086  }
0x25: {  	[simem:s6], [sflag:s4] =	dma.local [hbm:s3], $0xF7A  }
0x26: {  	[smem:$0x3F9F] =	sst s1;
	(tag) =	ssettag s2;
	_ =	strace s9  }
0x27: {  	s1 =	sld [smem:$0x3FAF]  }
0x28: {  	s2 =	sld [smem:$0x3FB0]  }
0x29: {  	s4 =	sld [smem:$0x3FB2]  }
0x2a: {  	p0 =	seq.s32 s5, $0x0;
	s5 =	sld [smem:$0x3FB3]  }
0x2b: {  	s6 =	sld [smem:$0x3FB4]  }
0x2c: {  	s7 =	sld [smem:$0x3FB5]  }
0x2d: {  	s3 =	simm.s32 $0x108;
	s8 =	sld [smem:$0x3FB6]  }
0x2e: {  	s3 =	simm.s32 @!p0 $0x1082;
	s9 =	sld [smem:$0x3FB7]  }
0x2f: {  	lr =	sadd.s32 s0, s3;
	s0 =	sld [smem:$0x3FAE]  }
0x30: {  	s3 =	sld [smem:$0x3FB1]  }
0x31: {  	[smem:$0x3FBA] =	sst s10  }
0x32: {  	s10 =	sld [smem:$0x3FB8];
	_ =	sdelay $0x3  }
0x33: {  	p0 =	seq.s32 s10, $0x1;
	s10 =	sld [smem:$0x3FBA];
	_ =	sdelay $0x3  }
0x34: {  	[smem:$0x3FBA] =	sst s10  }
0x35: {  	s10 =	sld [smem:$0x3FB9];
	_ =	sdelay $0x3  }
0x36: {  	p1 =	seq.s32 s10, $0x1;
	s10 =	sld [smem:$0x3FBA];
	_ =	sdelay $0x3  }
0x37: {  	[smem:$0x3FBA] =	sst s10  }
0x38: {  	s10 =	sld [smem:$0x3FBB]  }
0x39: {  	_ = 	snop;
	(pc) =	sbr.ind lr, $3  }
0x3a: {  	_ = 	snop  }
0x3b: {  	_ = 	snop  }
0x3c: {  	p2 =	seq.s32 s10, $0x1;
	s10 =	sld [smem:$0x3FBA]  }
0x3d: {  	_ =	shalt  }
0x3e: {  	_ =	shalt  }
0x3f: {  	_ =	shalt  }
0x40: {  	_ =	shalt  }
0x41: {  	_ =	shalt  }
0x42: {  	_ =	shalt  }
0x43: {  	_ =	shalt  }
0x44: {  	_ =	shalt  }
0x45: {  	_ =	shalt  }
0x46: {  	_ =	shalt  }
0x47: {  	_ =	shalt  }
0x48: {  	_ =	shalt  }
0x49: {  	_ =	shalt  }
0x4a: {  	_ =	shalt  }
0x4b: {  	_ =	shalt  }
0x4c: {  	_ =	shalt  }
0x4d: {  	_ =	shalt  }
0x4e: {  	_ =	shalt  }
0x4f: {  	_ =	shalt  }
0x50: {  	_ =	shalt  }
0x51: {  	_ =	shalt  }
0x52: {  	_ =	shalt  }
0x53: {  	_ =	shalt  }
0x54: {  	_ =	shalt  }
0x55: {  	_ =	shalt  }
0x56: {  	_ =	shalt  }
0x57: {  	_ =	shalt  }
0x58: {  	_ =	shalt  }
0x59: {  	_ =	shalt  }
0x5a: {  	_ =	shalt  }
0x5b: {  	_ =	shalt  }
0x5c: {  	_ =	shalt  }
0x5d: {  	_ =	shalt  }
0x5e: {  	_ =	shalt  }
0x5f: {  	_ =	shalt  }
0x60: {  	_ =	shalt  }
0x61: {  	_ =	shalt  }
0x62: {  	_ =	shalt  }
0x63: {  	_ =	shalt  }
0x64: {  	_ =	shalt  }
0x65: {  	_ =	shalt  }
0x66: {  	_ =	shalt  }
0x67: {  	_ =	shalt  }
0x68: {  	_ =	shalt  }
0x69: {  	_ =	shalt  }
0x6a: {  	_ =	shalt  }
0x6b: {  	_ =	shalt  }
0x6c: {  	_ =	shalt  }
0x6d: {  	_ =	shalt  }
0x6e: {  	_ =	shalt  }
0x6f: {  	_ =	shalt  }
0x70: {  	_ =	shalt  }
0x71: {  	_ =	shalt  }
0x72: {  	_ =	shalt  }
0x73: {  	_ =	shalt  }
0x74: {  	_ =	shalt  }
0x75: {  	_ =	shalt  }
0x76: {  	_ =	shalt  }
0x77: {  	_ =	shalt  }
0x78: {  	_ =	shalt  }
0x79: {  	_ =	shalt  }
0x7a: {  	_ =	shalt  }
0x7b: {  	_ =	shalt  }
0x7c: {  	_ =	shalt  }
0x7d: {  	_ =	shalt  }
0x7e: {  	_ =	shalt  }
0x7f: {  	_ =	shalt  }
0x80: {  	_ =	shalt  }
0x81: {  	_ =	shalt  }
0x82: {  	_ =	shalt  }
0x83: {  	_ =	shalt  }
0x84: {  	_ =	shalt  }
0x85: {  	_ =	shalt  }
0x86: {  	_ =	shalt  }
0x87: {  	_ =	shalt  }
.Lfunc_end0:
.L_simem_size_0:
called_computation_lowered:
.L_overlay_start_0:
0x88: {  	s2 =	sld [smem:$0x3FD9]  }
0x89: {  	s3 =	sld [smem:$0x3FFE];
	_ =	sdelay $0x1  }
0x8a: {  	s1 =	srdreg.scid  }
0x8b: {  	s0 =	sand.u32 $0x1, s1  }
0x8c: {  	s17 =	sshll.u32 s0, $0xA;
	s2 =	sadd.s32 s3, s2  }
0x8d: {  	s2 =	sadd.s32 s2, s17  }
0x8e: {  	[smem:$0x3FC6] =	sst s2  }
0x8f: {  	_ = 	snop  }
0x90: {  	s2 =	sld [smem:$0x3FC9]  }
0x91: {  	s18 =	sld [smem:$0x3FC8];
	(tm) =	ssettm $0x1  }
0x92: {  	s4 =	sld [smem:$0x3FFB];
	_ =	sdelay $0x3  }
0x93: {  	_ =	strace s4  }
0x94: {  	s4 =	sld [smem:$0x3FFC];
	_ =	sdelay $0x3  }
0x95: {  	_ =	strace s4  }
0x96: {  	s4 =	sld [smem:$0x3FFD];
	_ =	sdelay $0x3  }
0x97: {  	_ =	strace s4  }
0x98: {  	_ =	strace $0x8FFFFFFF  }
0x99: {  	s19 =	sld [smem:$0x3FDB];
	_ =	sdelay $0x1  }
0x9a: {  	s5 =	simm.s32 $_scs_section_size  }
0x9b: {  	s6 =	simm.s32 $_size__tile_overlayer_lowered;
	s7 =	simm.s32 $_tile_overlayer_lowered  }
0x9c: {  	s22 =	simm.s32 $0x1BFF;
	s21 =	sshll.u32 s7, $0x1;
	s4 =	sadd.s32 s5, s19  }
0x9d: {  	s8 =	simm.s32 $0x0;
	s20 =	sshll.u32 s6, $0x1;
	s6 =	sadd.s32 s21, s4  }
0x9e: {  	[timem:s8], [sflag:s22] =	dma.local [hbm:s6], s20  }
0x9f: {  	_ =	swait.ge [sflag:s22], s20  }
0xa0: {  	s5 =	ssub.s32 $0x0, s20;
	[sflag:s22] =	ssyncset.done $0x0  }
0xa1: {  	[sflag:s22] =	ssyncadd.s32 s5;
	_ =	sdelay $0x1  }
0xa2: {  	s23 =	simm.s32 $0x1B8B  }
0xa3: {  	_ =	swait.ge [sflag:s23], $0x1  }
0xa4: {  	[sflag:s23] =	ssyncset.done $0x0  }
0xa5: {  	s25 =	simm.s32 $0x1B8E;
	s24 =	sld [smem:$0x3FFE];
	[sflag:s23] =	ssyncadd.s32 $0xFFFFFFFF  }
0xa6: {  	s26 =	simm.s32 $execute0_lowered;
	[smem:$0x3FD2] =	sst s25  }
0xa7: {  	s6 =	sshll.u32 s26, $0x1;
	_ =	strace $0x80000046;
	[dreg:$0x1] =	wrdreg $0xFFFFFFFF  }
0xa8: {  	s28 =	simm.s32 $_size_execute0_lowered;
	s4 =	sadd.s32 s4, s6;
	[dreg:$0x0] =	wrdreg $0x0  }
0xa9: {  	s6 =	sshll.u32 s28, $0x1;
	[dreg:$0x2] =	wrdreg s4  }
0xaa: {  	[dreg:$0x3] =	wrdreg s6  }
0xab: {  	[dreg:$0x4] =	wrdreg $0xC0  }
0xac: {  	_ =	task [dreg:s8], $0x5FFFF  }
0xad: {  	[dreg:$0x1] =	wrdreg $0xFFFFFFFF  }
0xae: {  	[dreg:$0x0] =	wrdreg $0x60  }
0xaf: {  	[dreg:$0x2] =	wrdreg s2  }
0xb0: {  	[dreg:$0x3] =	wrdreg s18  }
0xb1: {  	[dreg:$0x4] =	wrdreg s24  }
0xb2: {  	[dreg:$0x5] =	wrdreg $0x9  }
0xb3: {  	_ =	task.clear_ibuf [dreg:s8], $0x6FFFF;
	_ =	strace $0x90000046  }
0xb4: {  	s29 =	simm.s32 $0x9;
	_ =	strace $0x80000048  }
0xb5: {  	_ =	swait.ge [sflag:s29], $0x1  }
0xb6: {  	[sflag:s29] =	ssyncadd.s32 $0xFFFFFFFF  }
0xb7: {  	_ =	strace $0x90000048  }
0xb8: {  	_ =	sfence  }
0xb9: {  	s30 =	sld [smem:$0x0];
	_ =	sdelay $0x2  }
0xba: {  	s31 =	sshll.u32 s1, $0xD;
	s1 =	sshrl.u32 s1, $0x2  }
0xbb: {  	s3 =	sand.u32 $0x4000, s31;
	s1 =	sadd.s32 s1, s30  }
0xbc: {  	s0 =	sor.u32 s3, s0;
	s1 =	sshll.u32 s1, $0x11  }
0xbd: {  	s0 =	sor.u32 s1, s0  }
0xbe: {  	s0 =	sadd.s32 $0x8F2B, s0  }
0xbf: {  	[sflag:s0] =	ssyncadd.remote.s32 $0x1  }
0xc0: {  	_ =	sfence.sel $0xFFFF  }
0xc1: {  	[dreg:$0x0] =	wrdreg $0xFFFFFFFF;
	(pc) =	sbr.abs _section_cstart, $3  }
0xc2: {  	[dreg:$0x1] =	wrdreg $0xFFFFFFFF  }
0xc3: {  	_ =	task.clear_ibuf [dreg:s8], $0x2FFFF;
	_ =	strace $0x9FFFFFFF  }
0xc4: {  	(tm) =	ssettm $0x7FFFFFFF  }
0xc5: {  	_ =	shalt  }
tec
execute0_lowered:
.L_overlay_start_1:
0x0: {  	(tag) =	ssettag $0x1  }
0x1: {  	s0 =	rddreg [dreg:$0x0];
	v0 =	vimm.s32 $0x1380;
	vm0 =	vcmask $0x300  }
0x2: {  	s4 =	rddreg [dreg:$0x1];
	v0 =	vsel vm0, $0x0, v0;
	vm0 =	vcmask $0x704  }
0x3: {  	s5 =	rddreg [dreg:$0x2];
	v0 =	vsel vm0, $0x80, v0;
	vm0 =	vcmask $0xB08  }
0x4: {  	s1 =	rddreg [dreg:$0x3];
	s6 =	srdreg.scid;
	v0 =	vsel vm0, $0x100, v0;
	vm0 =	vcmask $0xF0C  }
0x5: {  	s2 =	stileid.u32;
	s3 =	simm.s32 $0x0;
	s12 =	simm.s32 $0x400;
	v0 =	vsel vm0, $0x180, v0;
	vm0 =	vcmask $0x1310  }
0x6: {  	s13 =	simm.s32 $0x600;
	s14 =	simm.s32 $0x5;
	s15 =	simm.s32 $0x6;
	v0 =	vsel vm0, $0x200, v0;
	vm0 =	vcmask $0x1714  }
0x7: {  	s16 =	simm.s32 $0x7;
	s17 =	simm.s32 $0x8;
	s18 =	simm.s32 $0x1;
	v0 =	vsel vm0, $0x280, v0;
	vm0 =	vcmask $0x1B18  }
0x8: {  	s19 =	simm.s32 $0x2;
	s20 =	simm.s32 $0x3;
	s21 =	simm.s32 $0x4;
	v0 =	vsel vm0, $0x300, v0;
	vm0 =	vcmask $0x1F1C  }
0x9: {  	s22 =	simm.s32 $0x1000;
	s23 =	simm.s32 $0x9;
	s24 =	simm.s32 $0x0;
	v0 =	vsel vm0, $0x380, v0;
	vm0 =	vcmask $0x2320  }
0xa: {  	s10 =	sand.u32 $0x1, s6;
	s30 =	sshll.u32 s2, $0x1;
	[smem:$0x7FF] =	sst s3;
	v0 =	vsel vm0, $0x1000, v0;
	vm0 =	vcmask $0x2724  }
0xb: {  	s11 =	sshll.u32 s2, $0x15;
	s6 =	sor.u32 s10, s30;
	_ =	strace $0x80000047;
	v0 =	vsel vm0, $0x1080, v0;
	vm0 =	vcmask $0x2B28  }
0xc: {  	s7 =	ssub.s32 $0x2, s10;
	s10 =	sshll.u32 s10, $0x14;
	s8 =	sshll.u32 s6, $0x8;
	v0 =	vsel vm0, $0x1100, v0;
	vm0 =	vcmask $0x2F2C  }
0xd: {  	s6 =	sshll.u32 s6, $0x4;
	s9 =	sshrl.u32 s7, $0x1;
	s10 =	sor.u32 s10, s11;
	v0 =	vsel vm0, $0x1180, v0;
	vm0 =	vcmask $0x3330  }
0xe: {  	s11 =	simm.s32 $0x200;
	s4 =	sadd.s32 s4, s8;
	s31 =	sadd.s32 s6, s5;
	v0 =	vsel vm0, $0x1200, v0;
	vm0 =	vcmask $0x3734  }
0xf: {  	s9 =	ssub.s32 s7, s9;
	s5 =	sadd.s32 $0x40, s4;
	s6 =	sadd.s32 $0x80, s4;
	v0 =	vsel vm0, $0x1280, v0;
	vm0 =	vcmask $0x3B38  }
0x10: {  	v1 =	vimm.f32 $1.000000000e+00;
	s7 =	sadd.s32 $0xC0, s4;
	s8 =	sadd.s32 $0x600, s31;
	s9 =	smax.u32 s9, $0x1;
	v0 =	vsel vm0, $0x1300, v0;
	vm0 =	vmmov $0xffff  }
.LBB2_1:
0x11: {  	[tilespmem:s3], [sflag:$0x5] =	stream.linear.gather [hbm4b:s4+s3], $0x200, $0x38;
	[tilespmem:$0x1080] =	vst v63  }
0x12: {  	_ = 	snop  }
0x13: {  	[tilespmem:s11], [sflag:$0x6] =	stream.linear.gather [hbm4b:s5+s3], $0x200, $0x38;
	[tilespmem:$0x1080] =	vst v63  }
0x14: {  	_ = 	snop  }
0x15: {  	[tilespmem:s12], [sflag:$0x7] =	stream.linear.gather [hbm4b:s6+s3], $0x200, $0x38;
	[tilespmem:$0x1080] =	vst v63  }
0x16: {  	_ = 	snop  }
0x17: {  	[tilespmem:s13], [sflag:$0x8] =	stream.linear.gather [hbm4b:s7+s3], $0x200, $0x38;
	[tilespmem:$0x1080] =	vst v63  }
0x18: {  	_ =	swait.ge [sflag:s14], $0x200  }
0x19: {  	s25 =	simm.s32 $0xFFFFFFFE;
	s26 =	simm.s32 $0x10;
	[sflag:s14] =	ssyncset.done $0x0  }
0x1a: {  	s28 =	simm.s32 $0x810;
	s29 =	smov.u32 s10;
	[sflag:s14] =	ssyncadd.s32 $0xFFFFFE00  }
.LBB2_2:
0x1b: {  	v2 =	vld [tilespmem:s26+$0xFFFFFFF0];
	_ =	sdelay $0x4  }
0x1c: {  	v3 =	vand.u32 $0x7F, v2  }
0x1d: {  	v2 =	vshll.u32 v2, $0x3;
	v3 =	vor.u32 s29, v3  }
0x1e: {  	v2 =	vand.u32 $0xFFFFFC00, v2;
	v3 =	vor.u32 v0, v3  }
0x1f: {  	v2 =	vadd.s32 v2, v3;
	_ =	sdelay $0x3  }
0x20: {  	s30 =	sadd.s32 $0xFFFFFFF0, s28  }
0x21: {  	[tilespmem:s30], [sflag:$0x1] =	stream.indirect_vreg.gather [hbm4b:s0+s3], $0x1, v2, vm0, $0xb8;
	[tilespmem:$0x1080] =	vst v63  }
0x22: {  	v2 =	vld [tilespmem:s26+$0x0];
	_ =	sdelay $0x4  }
0x23: {  	s31 =	sadd.s32 $0x2000, s29;
	v3 =	vand.u32 $0x7F, v2  }
0x24: {  	v2 =	vshll.u32 v2, $0x3;
	v3 =	vor.u32 s31, v3  }
0x25: {  	v2 =	vand.u32 $0xFFFFFC00, v2;
	v3 =	vor.u32 v0, v3  }
0x26: {  	s25 =	sadd.s32 $0x2, s25;
	v2 =	vadd.s32 v2, v3  }
0x27: {  	p0 =	slt.u32 s25, $0x1E  }
.Ltmp0:
0x28: {  	_ = 	snop;
	(pc) =	sbr.rel @p0 .LBB2_2-.Ltmp0, $3  }
0x29: {  	_ =	sdelay $0x1  }
0x2a: {  	[tilespmem:s28], [sflag:$0x1] =	stream.indirect_vreg.gather [hbm4b:s0+s3], $0x1, v2, vm0, $0xb8;
	[tilespmem:$0x1080] =	vst v63  }
0x2b: {  	s29 =	sadd.s32 $0x4000, s29;
	s26 =	sadd.s32 $0x20, s26;
	s28 =	sadd.s32 $0x20, s28  }
0x2c: {  	_ =	swait.ge [sflag:s15], $0x200  }
0x2d: {  	s25 =	simm.s32 $0x1E;
	s26 =	simm.s32 $0xA00;
	[sflag:s15] =	ssyncset.done $0x0  }
0x2e: {  	s28 =	simm.s32 $0x210;
	s29 =	smov.u32 s10;
	[sflag:s15] =	ssyncadd.s32 $0xFFFFFE00  }
.LBB2_4:
0x2f: {  	v2 =	vld [tilespmem:s28+$0xFFFFFFF0];
	_ =	sdelay $0x4  }
0x30: {  	s30 =	sadd.s32 $0x40000, s29;
	v3 =	vand.u32 $0x7F, v2  }
0x31: {  	v2 =	vshll.u32 v2, $0x3;
	v3 =	vor.u32 s30, v3  }
0x32: {  	v2 =	vand.u32 $0xFFFFFC00, v2;
	v3 =	vor.u32 v0, v3  }
0x33: {  	v2 =	vadd.s32 v2, v3;
	_ =	sdelay $0x4  }
0x34: {  	[tilespmem:s26], [sflag:$0x2] =	stream.indirect_vreg.gather [hbm4b:s0+s3], $0x1, v2, vm0, $0xb8;
	[tilespmem:$0x1080] =	vst v63  }
0x35: {  	v2 =	vld [tilespmem:s28+$0x0];
	_ =	sdelay $0x4  }
0x36: {  	s31 =	sadd.s32 $0x42000, s29;
	v3 =	vand.u32 $0x7F, v2  }
0x37: {  	v2 =	vshll.u32 v2, $0x3;
	v3 =	vor.u32 s31, v3  }
0x38: {  	s25 =	sadd.s32 $0x2, s25;
	v2 =	vand.u32 $0xFFFFFC00, v2;
	v3 =	vor.u32 v0, v3  }
0x39: {  	p0 =	slt.u32 s25, $0x3E;
	v2 =	vadd.s32 v2, v3  }
.Ltmp1:
0x3a: {  	_ = 	snop;
	(pc) =	sbr.rel @p0 .LBB2_4-.Ltmp1, $4  }
0x3b: {  	_ = 	snop  }
0x3c: {  	s29 =	sadd.s32 $0x4000, s29  }
0x3d: {  	s28 =	sadd.s32 $0x20, s28;
	s31 =	sadd.s32 $0x10, s26;
	s26 =	sadd.s32 $0x20, s26  }
0x3e: {  	[tilespmem:s31], [sflag:$0x2] =	stream.indirect_vreg.gather [hbm4b:s0+s3], $0x1, v2, vm0, $0xb8;
	[tilespmem:$0x1080] =	vst v63  }
0x3f: {  	_ =	swait.ge [sflag:s16], $0x200  }
0x40: {  	s25 =	simm.s32 $0x3E;
	s26 =	simm.s32 $0xC00;
	[sflag:s16] =	ssyncset.done $0x0  }
0x41: {  	s28 =	simm.s32 $0x410;
	s29 =	smov.u32 s10;
	[sflag:s16] =	ssyncadd.s32 $0xFFFFFE00  }
.LBB2_6:
0x42: {  	v2 =	vld [tilespmem:s28+$0xFFFFFFF0];
	_ =	sdelay $0x4  }
0x43: {  	s30 =	sadd.s32 $0x80000, s29;
	v3 =	vand.u32 $0x7F, v2  }
0x44: {  	v2 =	vshll.u32 v2, $0x3;
	v3 =	vor.u32 s30, v3  }
0x45: {  	v2 =	vand.u32 $0xFFFFFC00, v2;
	v3 =	vor.u32 v0, v3  }
0x46: {  	v2 =	vadd.s32 v2, v3;
	_ =	sdelay $0x4  }
0x47: {  	[tilespmem:s26], [sflag:$0x3] =	stream.indirect_vreg.gather [hbm4b:s0+s3], $0x1, v2, vm0, $0xb8;
	[tilespmem:$0x1080] =	vst v63  }
0x48: {  	v2 =	vld [tilespmem:s28+$0x0];
	_ =	sdelay $0x4  }
0x49: {  	s31 =	sadd.s32 $0x82000, s29;
	v3 =	vand.u32 $0x7F, v2  }
0x4a: {  	v2 =	vshll.u32 v2, $0x3;
	v3 =	vor.u32 s31, v3  }
0x4b: {  	s25 =	sadd.s32 $0x2, s25;
	v2 =	vand.u32 $0xFFFFFC00, v2;
	v3 =	vor.u32 v0, v3  }
0x4c: {  	p0 =	slt.u32 s25, $0x5E;
	v2 =	vadd.s32 v2, v3  }
.Ltmp2:
0x4d: {  	_ = 	snop;
	(pc) =	sbr.rel @p0 .LBB2_6-.Ltmp2, $4  }
0x4e: {  	_ = 	snop  }
0x4f: {  	s29 =	sadd.s32 $0x4000, s29  }
0x50: {  	s28 =	sadd.s32 $0x20, s28;
	s31 =	sadd.s32 $0x10, s26;
	s26 =	sadd.s32 $0x20, s26  }
0x51: {  	[tilespmem:s31], [sflag:$0x3] =	stream.indirect_vreg.gather [hbm4b:s0+s3], $0x1, v2, vm0, $0xb8;
	[tilespmem:$0x1080] =	vst v63  }
0x52: {  	_ =	swait.ge [sflag:s17], $0x200  }
0x53: {  	s25 =	simm.s32 $0x5E;
	s26 =	simm.s32 $0xE00;
	[sflag:s17] =	ssyncset.done $0x0  }
0x54: {  	s28 =	simm.s32 $0x610;
	s29 =	smov.u32 s10;
	[sflag:s17] =	ssyncadd.s32 $0xFFFFFE00  }
.LBB2_8:
0x55: {  	v2 =	vld [tilespmem:s28+$0xFFFFFFF0];
	_ =	sdelay $0x4  }
0x56: {  	s30 =	sadd.s32 $0xC0000, s29;
	v3 =	vand.u32 $0x7F, v2  }
0x57: {  	v2 =	vshll.u32 v2, $0x3;
	v3 =	vor.u32 s30, v3  }
0x58: {  	v2 =	vand.u32 $0xFFFFFC00, v2;
	v3 =	vor.u32 v0, v3  }
0x59: {  	v2 =	vadd.s32 v2, v3;
	_ =	sdelay $0x4  }
0x5a: {  	[tilespmem:s26], [sflag:$0x4] =	stream.indirect_vreg.gather [hbm4b:s0+s3], $0x1, v2, vm0, $0xb8;
	[tilespmem:$0x1080] =	vst v63  }
0x5b: {  	v2 =	vld [tilespmem:s28+$0x0];
	_ =	sdelay $0x4  }
0x5c: {  	s31 =	sadd.s32 $0xC2000, s29;
	v3 =	vand.u32 $0x7F, v2  }
0x5d: {  	v2 =	vshll.u32 v2, $0x3;
	v3 =	vor.u32 s31, v3  }
0x5e: {  	s25 =	sadd.s32 $0x2, s25;
	v2 =	vand.u32 $0xFFFFFC00, v2;
	v3 =	vor.u32 v0, v3  }
0x5f: {  	p0 =	slt.u32 s25, $0x7E;
	v2 =	vadd.s32 v2, v3  }
.Ltmp3:
0x60: {  	_ = 	snop;
	(pc) =	sbr.rel @p0 .LBB2_8-.Ltmp3, $4  }
0x61: {  	_ = 	snop  }
0x62: {  	s29 =	sadd.s32 $0x4000, s29  }
0x63: {  	s28 =	sadd.s32 $0x20, s28;
	s31 =	sadd.s32 $0x10, s26;
	s26 =	sadd.s32 $0x20, s26  }
0x64: {  	[tilespmem:s31], [sflag:$0x4] =	stream.indirect_vreg.gather [hbm4b:s0+s3], $0x1, v2, vm0, $0xb8;
	[tilespmem:$0x1080] =	vst v63  }
0x65: {  	_ =	swait.ge [sflag:s18], $0x200  }
0x66: {  	[sflag:s18] =	ssyncset.done $0x0  }
0x67: {  	s25 =	simm.s32 $0x810;
	[sflag:s18] =	ssyncadd.s32 $0xFFFFFE00  }
0x68: {  	s26 =	simm.s32 $0x10;
	v2 =	vld [tilespmem:s25+$0xFFFFFFF0]  }
0x69: {  	v3 =	vld [tilespmem:s26+$0xFFFFFFF0];
	_ =	sdelay $0x1  }
0x6a: {  	v4 =	vld [tilespmem:s25+$0x0]  }
0x6b: {  	v5 =	vld [tilespmem:s26+$0x0]  }
0x6c: {  	s31 =	simm.s32 $0x830;
	v2 =	vsub.f32 $1.000000000e+00, v2  }
0x6d: {  	v8 =	vld [tilespmem:s31+$0xFFFFFFF0];
	vm1 =	veq.s32 v3, $0xFF  }
0x6e: {  	s25 =	simm.s32 $0x30;
	v3 =	vimm.f32 $0.0e+00;
	v2 =	vsel vm1, $0x0, v2  }
0x6f: {  	v7 =	vsub.f32 $1.000000000e+00, v4;
	v4 =	vld [tilespmem:s25+$0xFFFFFFF0];
	v6 =	vsel vm1, $0x0, v1;
	v9 =	vmul.f32 v2, v2  }
0x70: {  	v10 =	vadd.f32 v6, v3;
	vm1 =	veq.s32 v5, $0xFF;
	v2 =	vld [tilespmem:s31+$0x0]  }
0x71: {  	v5 =	vsel vm1, $0x0, v7;
	v11 =	vsel vm1, $0x0, v1;
	v6 =	vadd.f32 v9, v3;
	v3 =	vld [tilespmem:s25+$0x0]  }
0x72: {  	s28 =	simm.s32 $0x850;
	s26 =	simm.s32 $0x4;
	v8 =	vsub.f32 $1.000000000e+00, v8;
	v7 =	vmul.f32 v5, v5;
	v5 =	vadd.f32 v11, v10  }
.LBB2_10:
0x73: {  	s26 =	sadd.s32 $0x2, s26  }
0x74: {  	v9 =	vld [tilespmem:s28+$0xFFFFFFF0];
	vm1 =	veq.s32 v4, $0xFF;
	s25 =	sadd.s32 $0x20, s25;
	v6 =	vadd.f32 v7, v6;
	p0 =	slt.u32 s26, $0x1E  }
.Ltmp4:
0x75: {  	v4 =	vld [tilespmem:s25+$0xFFFFFFF0];
	v7 =	vsel vm1, $0x0, v8;
	v8 =	vsel vm1, $0x0, v1;
	v10 =	vsub.f32 $1.000000000e+00, v2;
	(pc) =	sbr.rel @p0 .LBB2_10-.Ltmp4, $4  }
0x76: {  	v2 =	vld [tilespmem:s28+$0x0];
	v7 =	vmul.f32 v7, v7;
	v5 =	vadd.f32 v8, v5;
	vm1 =	veq.s32 v3, $0xFF  }
0x77: {  	v3 =	vld [tilespmem:s25+$0x0];
	v8 =	vsel vm1, $0x0, v10;
	v10 =	vsel vm1, $0x0, v1  }
0x78: {  	v6 =	vadd.f32 v7, v6;
	v7 =	vmul.f32 v8, v8;
	v5 =	vadd.f32 v10, v5  }
0x79: {  	s28 =	sadd.s32 $0x20, s28;
	v8 =	vsub.f32 $1.000000000e+00, v9  }
0x7a: {  	v9 =	vld [tilespmem:s28+$0xFFFFFFF0]  }
0x7b: {  	s25 =	sadd.s32 $0x20, s25;
	v11 =	vld [tilespmem:s28+$0x0]  }
0x7c: {  	vm1 =	veq.s32 v4, $0xFF;
	v10 =	vld [tilespmem:s25+$0xFFFFFFF0]  }
0x7d: {  	v6 =	vadd.f32 v7, v6;
	v4 =	vld [tilespmem:s25+$0x0];
	v7 =	vsel vm1, $0x0, v8;
	v2 =	vsub.f32 $1.000000000e+00, v2;
	_ =	swait.ge [sflag:s19], $0x200  }
0x7e: {  	v8 =	vsel vm1, $0x0, v1;
	vm1 =	veq.s32 v3, $0xFF;
	v3 =	vmul.f32 v7, v7;
	[sflag:s19] =	ssyncset.done $0x0  }
0x7f: {  	s30 =	simm.s32 $0xA10;
	v5 =	vadd.f32 v8, v5;
	v2 =	vsel vm1, $0x0, v2;
	v7 =	vsel vm1, $0x0, v1;
	[sflag:s19] =	ssyncadd.s32 $0xFFFFFE00  }
0x80: {  	s26 =	simm.s32 $0x210;
	v3 =	vadd.f32 v3, v6;
	v2 =	vmul.f32 v2, v2;
	v8 =	vld [tilespmem:s30+$0xFFFFFFF0];
	v6 =	vsub.f32 $1.000000000e+00, v9  }
0x81: {  	v5 =	vadd.f32 v7, v5;
	v7 =	vld [tilespmem:s26+$0xFFFFFFF0];
	vm1 =	veq.s32 v10, $0xFF  }
0x82: {  	v2 =	vadd.f32 v2, v3;
	v3 =	vsel vm1, $0x0, v6;
	v6 =	vsub.f32 $1.000000000e+00, v11  }
0x83: {  	v9 =	vsel vm1, $0x0, v1;
	vm1 =	veq.s32 v4, $0xFF;
	v4 =	vld [tilespmem:s30+$0x0];
	v3 =	vmul.f32 v3, v3  }
0x84: {  	v5 =	vadd.f32 v9, v5;
	v9 =	vld [tilespmem:s26+$0x0];
	v6 =	vsel vm1, $0x0, v6  }
0x85: {  	s31 =	simm.s32 $0xA30;
	v2 =	vadd.f32 v3, v2;
	v3 =	vmul.f32 v6, v6;
	v6 =	vsub.f32 $1.000000000e+00, v8  }
0x86: {  	v10 =	vld [tilespmem:s31+$0xFFFFFFF0];
	v8 =	vsel vm1, $0x0, v1;
	vm1 =	veq.s32 v7, $0xFF  }
0x87: {  	s25 =	simm.s32 $0x230;
	v5 =	vadd.f32 v8, v5;
	v3 =	vadd.f32 v3, v2;
	v2 =	vsel vm1, $0x0, v6  }
0x88: {  	v6 =	vsel vm1, $0x0, v1;
	v7 =	vsub.f32 $1.000000000e+00, v4;
	v4 =	vld [tilespmem:s25+$0xFFFFFFF0];
	v8 =	vmul.f32 v2, v2  }
0x89: {  	v5 =	vadd.f32 v6, v5;
	vm1 =	veq.s32 v9, $0xFF;
	v2 =	vld [tilespmem:s31+$0x0]  }
0x8a: {  	v7 =	vsel vm1, $0x0, v7;
	v9 =	vsel vm1, $0x0, v1;
	v6 =	vadd.f32 v8, v3;
	v3 =	vld [tilespmem:s25+$0x0]  }
0x8b: {  	s28 =	simm.s32 $0xA50;
	s26 =	simm.s32 $0x24;
	v7 =	vmul.f32 v7, v7;
	v5 =	vadd.f32 v9, v5;
	v8 =	vsub.f32 $1.000000000e+00, v10  }
.LBB2_12:
0x8c: {  	s26 =	sadd.s32 $0x2, s26  }
0x8d: {  	v9 =	vld [tilespmem:s28+$0xFFFFFFF0];
	vm1 =	veq.s32 v4, $0xFF;
	s25 =	sadd.s32 $0x20, s25;
	v6 =	vadd.f32 v7, v6;
	p0 =	slt.u32 s26, $0x3E  }
.Ltmp5:
0x8e: {  	v4 =	vld [tilespmem:s25+$0xFFFFFFF0];
	v7 =	vsel vm1, $0x0, v8;
	v8 =	vsel vm1, $0x0, v1;
	v10 =	vsub.f32 $1.000000000e+00, v2;
	(pc) =	sbr.rel @p0 .LBB2_12-.Ltmp5, $4  }
0x8f: {  	v2 =	vld [tilespmem:s28+$0x0];
	v7 =	vmul.f32 v7, v7;
	v5 =	vadd.f32 v8, v5;
	vm1 =	veq.s32 v3, $0xFF  }
0x90: {  	v3 =	vld [tilespmem:s25+$0x0];
	v8 =	vsel vm1, $0x0, v10;
	v10 =	vsel vm1, $0x0, v1  }
0x91: {  	v6 =	vadd.f32 v7, v6;
	v7 =	vmul.f32 v8, v8;
	v5 =	vadd.f32 v10, v5  }
0x92: {  	s28 =	sadd.s32 $0x20, s28;
	v8 =	vsub.f32 $1.000000000e+00, v9  }
0x93: {  	v9 =	vld [tilespmem:s28+$0xFFFFFFF0]  }
0x94: {  	s25 =	sadd.s32 $0x20, s25;
	v11 =	vld [tilespmem:s28+$0x0]  }
0x95: {  	vm1 =	veq.s32 v4, $0xFF;
	v10 =	vld [tilespmem:s25+$0xFFFFFFF0]  }
0x96: {  	v6 =	vadd.f32 v7, v6;
	v4 =	vld [tilespmem:s25+$0x0];
	v7 =	vsel vm1, $0x0, v8;
	v2 =	vsub.f32 $1.000000000e+00, v2;
	_ =	swait.ge [sflag:s20], $0x200  }
0x97: {  	v8 =	vsel vm1, $0x0, v1;
	vm1 =	veq.s32 v3, $0xFF;
	v3 =	vmul.f32 v7, v7;
	[sflag:s20] =	ssyncset.done $0x0  }
0x98: {  	s30 =	simm.s32 $0xC10;
	v5 =	vadd.f32 v8, v5;
	v2 =	vsel vm1, $0x0, v2;
	v7 =	vsel vm1, $0x0, v1;
	[sflag:s20] =	ssyncadd.s32 $0xFFFFFE00  }
0x99: {  	s26 =	simm.s32 $0x410;
	v3 =	vadd.f32 v3, v6;
	v2 =	vmul.f32 v2, v2;
	v8 =	vld [tilespmem:s30+$0xFFFFFFF0];
	v6 =	vsub.f32 $1.000000000e+00, v9  }
0x9a: {  	v5 =	vadd.f32 v7, v5;
	v7 =	vld [tilespmem:s26+$0xFFFFFFF0];
	vm1 =	veq.s32 v10, $0xFF  }
0x9b: {  	v2 =	vadd.f32 v2, v3;
	v3 =	vsel vm1, $0x0, v6;
	v6 =	vsub.f32 $1.000000000e+00, v11  }
0x9c: {  	v9 =	vsel vm1, $0x0, v1;
	vm1 =	veq.s32 v4, $0xFF;
	v4 =	vld [tilespmem:s30+$0x0];
	v3 =	vmul.f32 v3, v3  }
0x9d: {  	v5 =	vadd.f32 v9, v5;
	v9 =	vld [tilespmem:s26+$0x0];
	v6 =	vsel vm1, $0x0, v6  }
0x9e: {  	s31 =	simm.s32 $0xC30;
	v2 =	vadd.f32 v3, v2;
	v3 =	vmul.f32 v6, v6;
	v6 =	vsub.f32 $1.000000000e+00, v8  }
0x9f: {  	v10 =	vld [tilespmem:s31+$0xFFFFFFF0];
	v8 =	vsel vm1, $0x0, v1;
	vm1 =	veq.s32 v7, $0xFF  }
0xa0: {  	s25 =	simm.s32 $0x430;
	v5 =	vadd.f32 v8, v5;
	v3 =	vadd.f32 v3, v2;
	v2 =	vsel vm1, $0x0, v6  }
0xa1: {  	v6 =	vsel vm1, $0x0, v1;
	v7 =	vsub.f32 $1.000000000e+00, v4;
	v4 =	vld [tilespmem:s25+$0xFFFFFFF0];
	v8 =	vmul.f32 v2, v2  }
0xa2: {  	v5 =	vadd.f32 v6, v5;
	vm1 =	veq.s32 v9, $0xFF;
	v2 =	vld [tilespmem:s31+$0x0]  }
0xa3: {  	v7 =	vsel vm1, $0x0, v7;
	v9 =	vsel vm1, $0x0, v1;
	v6 =	vadd.f32 v8, v3;
	v3 =	vld [tilespmem:s25+$0x0]  }
0xa4: {  	s28 =	simm.s32 $0xC50;
	s26 =	simm.s32 $0x44;
	v7 =	vmul.f32 v7, v7;
	v5 =	vadd.f32 v9, v5;
	v8 =	vsub.f32 $1.000000000e+00, v10  }
.LBB2_14:
0xa5: {  	s26 =	sadd.s32 $0x2, s26  }
0xa6: {  	v9 =	vld [tilespmem:s28+$0xFFFFFFF0];
	vm1 =	veq.s32 v4, $0xFF;
	s25 =	sadd.s32 $0x20, s25;
	v6 =	vadd.f32 v7, v6;
	p0 =	slt.u32 s26, $0x5E  }
.Ltmp6:
0xa7: {  	v4 =	vld [tilespmem:s25+$0xFFFFFFF0];
	v7 =	vsel vm1, $0x0, v8;
	v8 =	vsel vm1, $0x0, v1;
	v10 =	vsub.f32 $1.000000000e+00, v2;
	(pc) =	sbr.rel @p0 .LBB2_14-.Ltmp6, $4  }
0xa8: {  	v2 =	vld [tilespmem:s28+$0x0];
	v7 =	vmul.f32 v7, v7;
	v5 =	vadd.f32 v8, v5;
	vm1 =	veq.s32 v3, $0xFF  }
0xa9: {  	v3 =	vld [tilespmem:s25+$0x0];
	v8 =	vsel vm1, $0x0, v10;
	v10 =	vsel vm1, $0x0, v1  }
0xaa: {  	v6 =	vadd.f32 v7, v6;
	v7 =	vmul.f32 v8, v8;
	v5 =	vadd.f32 v10, v5  }
0xab: {  	s28 =	sadd.s32 $0x20, s28;
	v8 =	vsub.f32 $1.000000000e+00, v9  }
0xac: {  	v9 =	vld [tilespmem:s28+$0xFFFFFFF0]  }
0xad: {  	s25 =	sadd.s32 $0x20, s25;
	v11 =	vld [tilespmem:s28+$0x0]  }
0xae: {  	vm1 =	veq.s32 v4, $0xFF;
	v10 =	vld [tilespmem:s25+$0xFFFFFFF0]  }
0xaf: {  	v6 =	vadd.f32 v7, v6;
	v4 =	vld [tilespmem:s25+$0x0];
	v7 =	vsel vm1, $0x0, v8;
	v2 =	vsub.f32 $1.000000000e+00, v2;
	_ =	swait.ge [sflag:s21], $0x200  }
0xb0: {  	v8 =	vsel vm1, $0x0, v1;
	vm1 =	veq.s32 v3, $0xFF;
	v3 =	vmul.f32 v7, v7;
	[sflag:s21] =	ssyncset.done $0x0  }
0xb1: {  	s30 =	simm.s32 $0xE10;
	v5 =	vadd.f32 v8, v5;
	v2 =	vsel vm1, $0x0, v2;
	v7 =	vsel vm1, $0x0, v1;
	[sflag:s21] =	ssyncadd.s32 $0xFFFFFE00  }
0xb2: {  	s26 =	simm.s32 $0x610;
	v3 =	vadd.f32 v3, v6;
	v2 =	vmul.f32 v2, v2;
	v8 =	vld [tilespmem:s30+$0xFFFFFFF0];
	v6 =	vsub.f32 $1.000000000e+00, v9  }
0xb3: {  	v5 =	vadd.f32 v7, v5;
	v7 =	vld [tilespmem:s26+$0xFFFFFFF0];
	vm1 =	veq.s32 v10, $0xFF  }
0xb4: {  	v2 =	vadd.f32 v2, v3;
	v3 =	vsel vm1, $0x0, v6;
	v6 =	vsub.f32 $1.000000000e+00, v11  }
0xb5: {  	v9 =	vsel vm1, $0x0, v1;
	vm1 =	veq.s32 v4, $0xFF;
	v4 =	vld [tilespmem:s30+$0x0];
	v3 =	vmul.f32 v3, v3  }
0xb6: {  	v5 =	vadd.f32 v9, v5;
	v9 =	vld [tilespmem:s26+$0x0];
	v6 =	vsel vm1, $0x0, v6  }
0xb7: {  	s31 =	simm.s32 $0xE30;
	v2 =	vadd.f32 v3, v2;
	v3 =	vmul.f32 v6, v6;
	v6 =	vsub.f32 $1.000000000e+00, v8  }
0xb8: {  	v10 =	vld [tilespmem:s31+$0xFFFFFFF0];
	v8 =	vsel vm1, $0x0, v1;
	vm1 =	veq.s32 v7, $0xFF  }
0xb9: {  	s25 =	simm.s32 $0x630;
	v5 =	vadd.f32 v8, v5;
	v3 =	vadd.f32 v3, v2;
	v2 =	vsel vm1, $0x0, v6  }
0xba: {  	v6 =	vsel vm1, $0x0, v1;
	v7 =	vsub.f32 $1.000000000e+00, v4;
	v4 =	vld [tilespmem:s25+$0xFFFFFFF0];
	v8 =	vmul.f32 v2, v2  }
0xbb: {  	v5 =	vadd.f32 v6, v5;
	vm1 =	veq.s32 v9, $0xFF;
	v2 =	vld [tilespmem:s31+$0x0]  }
0xbc: {  	v7 =	vsel vm1, $0x0, v7;
	v9 =	vsel vm1, $0x0, v1;
	v6 =	vadd.f32 v8, v3;
	v3 =	vld [tilespmem:s25+$0x0]  }
0xbd: {  	s28 =	simm.s32 $0x64;
	s26 =	simm.s32 $0xE50;
	v7 =	vmul.f32 v7, v7;
	v5 =	vadd.f32 v9, v5;
	v8 =	vsub.f32 $1.000000000e+00, v10  }
.LBB2_16:
0xbe: {  	s28 =	sadd.s32 $0x2, s28  }
0xbf: {  	v9 =	vld [tilespmem:s26+$0xFFFFFFF0];
	vm1 =	veq.s32 v4, $0xFF;
	s25 =	sadd.s32 $0x20, s25;
	v6 =	vadd.f32 v7, v6;
	p0 =	slt.u32 s28, $0x7E  }
.Ltmp7:
0xc0: {  	v4 =	vld [tilespmem:s25+$0xFFFFFFF0];
	v7 =	vsel vm1, $0x0, v8;
	v8 =	vsel vm1, $0x0, v1;
	v10 =	vsub.f32 $1.000000000e+00, v2;
	(pc) =	sbr.rel @p0 .LBB2_16-.Ltmp7, $4  }
0xc1: {  	v2 =	vld [tilespmem:s26+$0x0];
	v7 =	vmul.f32 v7, v7;
	v5 =	vadd.f32 v8, v5;
	vm1 =	veq.s32 v3, $0xFF  }
0xc2: {  	v3 =	vld [tilespmem:s25+$0x0];
	v8 =	vsel vm1, $0x0, v10;
	v10 =	vsel vm1, $0x0, v1  }
0xc3: {  	v6 =	vadd.f32 v7, v6;
	v7 =	vmul.f32 v8, v8;
	v5 =	vadd.f32 v10, v5  }
0xc4: {  	s26 =	sadd.s32 $0x20, s26;
	v8 =	vsub.f32 $1.000000000e+00, v9  }
0xc5: {  	v9 =	vld [tilespmem:s26+$0xFFFFFFF0]  }
0xc6: {  	s25 =	sadd.s32 $0x20, s25;
	v57 =	vld [tilespmem:s26+$0x0]  }
0xc7: {  	vm1 =	veq.s32 v4, $0xFF;
	v10 =	vld [tilespmem:s25+$0xFFFFFFF0]  }
0xc8: {  	v6 =	vadd.f32 v7, v6;
	v58 =	vsel vm1, $0x0, v8;
	v2 =	vsub.f32 $1.000000000e+00, v2  }
0xc9: {  	v59 =	vld [tilespmem:s25+$0x0];
	vm2 =	veq.s32 v3, $0xFF;
	v3 =	vsel vm1, $0x0, v1;
	v7 =	vmul.f32 v58, v58  }
0xca: {  	v3 =	vadd.f32 v3, v5;
	v2 =	vsel vm2, $0x0, v2  }
0xcb: {  	v6 =	vadd.f32 v7, v6;
	v2 =	vmul.f32 v2, v2;
	v60 =	vsub.f32 $1.000000000e+00, v9  }
0xcc: {  	v61 =	vsel vm2, $0x0, v1;
	v4 =	vsub.f32 $1.000000000e+00, v57;
	vm1 =	veq.s32 v10, $0xFF  }
0xcd: {  	v3 =	vadd.f32 v61, v3;
	v2 =	vadd.f32 v2, v6;
	v5 =	vsel vm1, $0x0, v60  }
0xce: {  	vm2 =	veq.s32 v59, $0xFF;
	v62 =	vsel vm1, $0x0, v1;
	v5 =	vmul.f32 v5, v5  }
0xcf: {  	v4 =	vsel vm2, $0x0, v4;
	v3 =	vadd.f32 v62, v3  }
0xd0: {  	v63 =	vsel vm2, $0x0, v1;
	v4 =	vmul.f32 v4, v4;
	v2 =	vadd.f32 v5, v2  }
0xd1: {  	v3 =	vadd.f32 v63, v3  }
0xd2: {  	s24 =	sadd.s32 $0x1, s24;
	v2 =	vadd.f32 v4, v2  }
0xd3: {  	p0 =	sne.s32 s24, s9;
	[tilespmem:$0x1010] =	vst v3  }
.Ltmp8:
0xd4: {  	[tilespmem:$0x1000] =	vst v2;
	(pc) =	sbr.rel @p0 .LBB2_1-.Ltmp8, $4  }
0xd5: {  	[hbm4b:s8+s3] =	stream.linear.scatter [tilespmem:s22], [sflag:$0x9], $0x80, $0x38;
	[tilespmem:$0x1080] =	vst v63  }
0xd6: {  	_ =	swait.ge [sflag:s23], $0x80  }
0xd7: {  	[sflag:s23] =	ssyncset.done $0x0  }
0xd8: {  	[sflag:s23] =	ssyncadd.s32 $0xFFFFFF80  }
0xd9: {  	_ =	sfence.sel $0x180000  }
0xda: {  	[bflag:$0x0] =	sbarrier.arrive $0xFFFF  }
0xdb: {  	p0 =	sne.s32 s2, $0x0;
	_ =	strace $0x90000047  }
0xdc: {  	s0 =	sadd.s32 @!p0 $0x100000, s1;
	[bflag:$0x2] =	sbarrier.arrive $0xFFFF  }
0xdd: {  	[sflag:s0] =	ssyncadd.tile.s32 @!p0 $0x1;
	_ =	shalt  }
.Lfunc_end2:
_tile_overlayer_lowered:
.L_overlay_start_2:
0xde: {  	(tag) =	ssettag $0x2  }
0xdf: {  	s0 =	rddreg [dreg:$0x0];
	s2 =	stileid.u32  }
0xe0: {  	s1 =	rddreg [dreg:$0x1];
	p0 =	sne.s32 s2, $0x0  }
0xe1: {  	s3 =	rddreg [dreg:$0x2];
	[bflag:$0x3] =	sbarrier.arrive $0xFFFF;
	s2 =	simm.s32 @!p0 $0x1C09  }
0xe2: {  	[timem:s3], [sflag:s2] =	dma.local @!p0 [hbm:s0], s1  }
0xe3: {  	s0 =	simm.s32 @!p0 $0x9  }
0xe4: {  	_ =	swait.ge @!p0 [sflag:s0], s1  }
0xe5: {  	s1 =	ssub.s32 @!p0 $0x0, s1;
	[sflag:s0] =	ssyncset.done @!p0 $0x0  }
0xe6: {  	[sflag:s0] =	ssyncadd.s32 @!p0 s1  }
0xe7: {  	[bflag:$0x3] =	sbarrier.arrive $0xFFFF  }
0xe8: {  	_ =	shalt  }

</sc_bundles>
